<compile_context>
chip_gen: v7x
topology: tpu7x:2x2x1
jax: 0.10.2.dev20260603
libtpu: 0.0.44.dev20260713+nightly
codegen_flags: <defaults>
</compile_context>

<pallas_src>
import functools

import jax
import jax.numpy as jnp
from jax import lax
from jax.experimental import pallas as pl
from jax.experimental.pallas import tpu as pltpu
from jax.experimental.pallas import tpu_sc as plsc

S = 19
N = 2097152
NC = 2
NS = 16
NW = NC * NS
R = N // NW
CHC = 2048
NCH = R // CHC
G = CHC // 16

_mesh = plsc.VectorSubcoreMesh(core_axis_name="c", subcore_axis_name="s")


@functools.partial(
    pl.kernel,
    mesh=_mesh,
    out_type=jax.ShapeDtypeStruct((S, N), jnp.float32),
    scratch_types=[
        pltpu.VMEM((CHC,), jnp.float32),
        pltpu.VMEM((CHC,), jnp.float32),
        pltpu.VMEM((S, CHC), jnp.float32),
        pltpu.VMEM((S, CHC), jnp.float32),
        pltpu.VMEM((CHC,), jnp.int32),
        pltpu.VMEM((CHC,), jnp.int32),
        pltpu.SemaphoreType.DMA,
        pltpu.SemaphoreType.DMA,
        pltpu.SemaphoreType.DMA,
        pltpu.SemaphoreType.DMA,
    ],
    compiler_params=pltpu.CompilerParams(needs_layout_passes=False),
)
def _sc_twohot(
    x_hbm, out_hbm, xv0, xv1, ov0, ov1, fv0, fv1, sem0, sem1, semx0, semx1
):
    wid = lax.axis_index("s") * NC + lax.axis_index("c")
    base_col = wid * R

    lanes = lax.iota(jnp.int32, 16)
    zf = jnp.zeros((16,), jnp.float32)
    f_init = jnp.full((16,), S, jnp.int32)

    bufs = ((xv0, ov0, fv0, sem0, semx0), (xv1, ov1, fv1, sem1, semx1))

    def init_body(i, _):
        c16 = i * 16 + lanes
        for j in range(S):
            cj = jnp.full((16,), j, jnp.int32)
            plsc.store_scatter(ov0, [cj, c16], zf)
            plsc.store_scatter(ov1, [cj, c16], zf)
        fv0[pl.ds(i * 16, 16)] = f_init
        fv1[pl.ds(i * 16, 16)] = f_init
        return 0
    lax.fori_loop(0, CHC // 16, init_body, 0)

    pltpu.async_copy(x_hbm.at[pl.ds(base_col, CHC)], xv0, semx0)

    def outer(o, _):
        for b in range(2):
            xv, ov, fv, sem, semx = bufs[b]
            xvn, _, _, _, semxn = bufs[1 - b]
            c = o * 2 + b
            col0 = base_col + c * CHC
            @pl.when(o > 0)
            def _wait():
                pltpu.make_async_copy(
                    ov, out_hbm.at[:, pl.ds(0, CHC)], sem
                ).wait()

            pltpu.make_async_copy(x_hbm.at[pl.ds(0, CHC)], xv, semx).wait()

            @pl.when(c + 1 < NCH)
            def _prefetch():
                pltpu.async_copy(
                    x_hbm.at[pl.ds(col0 + CHC, CHC)], xvn, semxn
                )

            @plsc.parallel_loop(0, G, step=1, unroll=4)
            def group(g):
                cols = g * 16 + lanes
                fold = fv[pl.ds(g * 16, 16)]
                plsc.store_scatter(ov, [fold, cols], zf, mask=fold < S)
                plsc.store_scatter(ov, [fold + 1, cols], zf, mask=fold + 1 < S)

                xx = xv[pl.ds(g * 16, 16)]
                ax = jnp.abs(xx) + 1.0
                ib = plsc.bitcast(ax, jnp.int32)
                z = plsc.bitcast(
                    jnp.int32(0x5F3759DF) - jnp.right_shift(ib, 1), jnp.float32
                )
                h = 0.5 * ax
                z = z * (1.5 - h * z * z)
                z = z * (1.5 - h * z * z)
                y = ax * z
                tv = jnp.sign(xx) * (y - 1.0 + 0.001 * xx)
                tv = jnp.clip(tv, 0.0, float(S))
                fi = tv.astype(jnp.int32)
                r = tv - fi.astype(jnp.float32)

                plsc.store_scatter(ov, [fi, cols], 1.0 - r, mask=fi < S)
                plsc.store_scatter(ov, [fi + 1, cols], r, mask=fi + 1 < S)
                fv[pl.ds(g * 16, 16)] = fi

            pltpu.async_copy(ov, out_hbm.at[:, pl.ds(col0, CHC)], sem)
        return 0

    lax.fori_loop(0, NCH // 2, outer, 0)

    for b in range(2):
        _, ov, _, sem, _ = bufs[b]
        pltpu.make_async_copy(ov, out_hbm.at[:, pl.ds(0, CHC)], sem).wait()


def kernel(target_value):
    return _sc_twohot(target_value).T

# --- scband reference (transcript-rebuilt; emitter-appended) ---
"""Pipeline reference for scband-networks-65257733095755 (READ-ONLY COPY).

The authoritative reference and input builder live on the scoring server;
editing this copy changes nothing except your own understanding.
"""

import jax, jax.numpy as jnp
import numpy as np
import math

VALUE_SUPPORT_SIZE = math.ceil(math.sqrt(300)) + 1  # 19
N = 2097152

def setup_inputs(seed: int = 0) -> dict:
    key = jax.random.key(seed)
    target_value = jax.random.normal(key, (N,), dtype=jnp.float32)
    return {"target_value": target_value}

def reference(target_value):
    # Faithful translation of Networks.scalar_to_support (the histogram/two-hot binning op).
    batch = target_value.shape[0]
    S = VALUE_SUPPORT_SIZE
    tv = jnp.sign(target_value) * (jnp.sqrt(jnp.abs(target_value) + 1.0) - 1.0 + 0.001 * target_value)
    tv = jnp.clip(tv, 0.0, float(S))
    floor = jnp.floor(tv)
    rest = tv - floor
    rows = jnp.arange(batch)
    floor_i = floor.astype(jnp.int32)
    targets = jnp.zeros((batch, S), dtype=jnp.float32)
    # targets[arange(batch), floor] = 1 - rest
    targets = targets.at[rows, floor_i].set(1.0 - rest)
    # masked overwrite: targets[batch_mask, floor+1] = rest  where floor+1 < S
    idx = floor_i + 1
    mask = idx < S
    idx_safe = jnp.where(mask, idx, S)  # out-of-range rows get dropped
    vals = jnp.where(mask, rest, 0.0)
    targets = targets.at[rows, idx_safe].set(vals, mode='drop')
    return targets

if __name__ == "__main__":
    import jax
    _d = setup_inputs()
    print(jax.jit(kernel)(*tuple(_d.values())))

</pallas_src>

<mosaic_0001>
#map = affine_map<(d0, d1) -> (0)>
#map1 = affine_map<(d0, d1) -> (0, 0)>
module attributes {stable_mosaic.version = 14 : i64} {
  func.func @_sc_twohot(%arg0: i32, %arg1: i32, %arg2: memref<2097152xf32, #tpu.memory_space<hbm>>, %arg3: memref<19x2097152xf32, #tpu.memory_space<hbm>>, %arg4: memref<2048xf32, #tpu.memory_space<vmem>>, %arg5: memref<2048xf32, #tpu.memory_space<vmem>>, %arg6: memref<19x2048xf32, #tpu.memory_space<vmem>>, %arg7: memref<19x2048xf32, #tpu.memory_space<vmem>>, %arg8: memref<2048xi32, #tpu.memory_space<vmem>>, %arg9: memref<2048xi32, #tpu.memory_space<vmem>>, %arg10: memref<!tpu.dma_semaphore, #tpu.memory_space<semaphore_mem>>, %arg11: memref<!tpu.dma_semaphore, #tpu.memory_space<semaphore_mem>>, %arg12: memref<!tpu.dma_semaphore, #tpu.memory_space<semaphore_mem>>, %arg13: memref<!tpu.dma_semaphore, #tpu.memory_space<semaphore_mem>>) attributes {dimension_semantics = [#tpu.dimension_semantics<core_parallel>, #tpu.dimension_semantics<subcore_parallel>], iteration_bounds = array<i64: 2, 16>, scalar_prefetch = 0 : i64, scratch_operands = 10 : i64, tpu.core_type = #tpu.core_type<sc_vector_subcore>, window_params = [{transform_indices = #map}, {transform_indices = #map1}]} {
    %mul3A = arith.constant 2 : i32
    %mul3A_0 = arith.muli %arg1, %mul3A : i32
    %add3A = arith.addi %mul3A_0, %arg0 : i32
    %mul3A_1 = arith.constant 65536 : i32
    %mul3A_2 = arith.muli %add3A, %mul3A_1 : i32
    %iota3A = tpu.iota {dimensions = array<i32: 0>} : vector<16xi32>
    %broadcast_in_dim3A = arith.constant 0.000000e+00 : f32
    %broadcast_in_dim3A_3 = vector.broadcast %broadcast_in_dim3A : f32 to vector<16xf32>
    %broadcast_in_dim3A_4 = arith.constant 19 : i32
    %broadcast_in_dim3A_5 = vector.broadcast %broadcast_in_dim3A_4 : i32 to vector<16xi32>
    %scan3A = arith.constant 0 : i32
    %scan3A_6 = arith.constant 0 : i32
    %scan3A_7 = arith.constant 128 : i32
    %scan3A_8 = arith.addi %scan3A_6, %scan3A_7 : i32
    %scan3A_9 = arith.constant 1 : i32
    %scan3A_10 = scf.for %scan3A_31 = %scan3A_6 to %scan3A_8 step %scan3A_9 iter_args(%scan3A_32 = %scan3A) -> (i32)  : i32 {
      %mul3A_33 = arith.constant 16 : i32
      %mul3A_34 = arith.muli %scan3A_31, %mul3A_33 : i32
      %add3A_35 = vector.broadcast %mul3A_34 : i32 to vector<16xi32>
      %add3A_36 = arith.addi %add3A_35, %iota3A : vector<16xi32>
      %broadcast_in_dim3A_37 = arith.constant 0 : i32
      %broadcast_in_dim3A_38 = vector.broadcast %broadcast_in_dim3A_37 : i32 to vector<16xi32>
      tpu.vector_store_idx %arg6[%broadcast_in_dim3A_38, %add3A_36], %broadcast_in_dim3A_3 : memref<19x2048xf32, #tpu.memory_space<vmem>>[vector<16xi32>, vector<16xi32>], vector<16xf32>,
      tpu.vector_store_idx %arg7[%broadcast_in_dim3A_38, %add3A_36], %broadcast_in_dim3A_3 : memref<19x2048xf32, #tpu.memory_space<vmem>>[vector<16xi32>, vector<16xi32>], vector<16xf32>,
      %broadcast_in_dim3A_39 = arith.constant 1 : i32
      %broadcast_in_dim3A_40 = vector.broadcast %broadcast_in_dim3A_39 : i32 to vector<16xi32>
      tpu.vector_store_idx %arg6[%broadcast_in_dim3A_40, %add3A_36], %broadcast_in_dim3A_3 : memref<19x2048xf32, #tpu.memory_space<vmem>>[vector<16xi32>, vector<16xi32>], vector<16xf32>,
      tpu.vector_store_idx %arg7[%broadcast_in_dim3A_40, %add3A_36], %broadcast_in_dim3A_3 : memref<19x2048xf32, #tpu.memory_space<vmem>>[vector<16xi32>, vector<16xi32>], vector<16xf32>,
      %broadcast_in_dim3A_41 = arith.constant 2 : i32
      %broadcast_in_dim3A_42 = vector.broadcast %broadcast_in_dim3A_41 : i32 to vector<16xi32>
      tpu.vector_store_idx %arg6[%broadcast_in_dim3A_42, %add3A_36], %broadcast_in_dim3A_3 : memref<19x2048xf32, #tpu.memory_space<vmem>>[vector<16xi32>, vector<16xi32>], vector<16xf32>,
      tpu.vector_store_idx %arg7[%broadcast_in_dim3A_42, %add3A_36], %broadcast_in_dim3A_3 : memref<19x2048xf32, #tpu.memory_space<vmem>>[vector<16xi32>, vector<16xi32>], vector<16xf32>,
      %broadcast_in_dim3A_43 = arith.constant 3 : i32
      %broadcast_in_dim3A_44 = vector.broadcast %broadcast_in_dim3A_43 : i32 to vector<16xi32>
      tpu.vector_store_idx %arg6[%broadcast_in_dim3A_44, %add3A_36], %broadcast_in_dim3A_3 : memref<19x2048xf32, #tpu.memory_space<vmem>>[vector<16xi32>, vector<16xi32>], vector<16xf32>,
      tpu.vector_store_idx %arg7[%broadcast_in_dim3A_44, %add3A_36], %broadcast_in_dim3A_3 : memref<19x2048xf32, #tpu.memory_space<vmem>>[vector<16xi32>, vector<16xi32>], vector<16xf32>,
      %broadcast_in_dim3A_45 = arith.constant 4 : i32
      %broadcast_in_dim3A_46 = vector.broadcast %broadcast_in_dim3A_45 : i32 to vector<16xi32>
      tpu.vector_store_idx %arg6[%broadcast_in_dim3A_46, %add3A_36], %broadcast_in_dim3A_3 : memref<19x2048xf32, #tpu.memory_space<vmem>>[vector<16xi32>, vector<16xi32>], vector<16xf32>,
      tpu.vector_store_idx %arg7[%broadcast_in_dim3A_46, %add3A_36], %broadcast_in_dim3A_3 : memref<19x2048xf32, #tpu.memory_space<vmem>>[vector<16xi32>, vector<16xi32>], vector<16xf32>,
      %broadcast_in_dim3A_47 = arith.constant 5 : i32
      %broadcast_in_dim3A_48 = vector.broadcast %broadcast_in_dim3A_47 : i32 to vector<16xi32>
      tpu.vector_store_idx %arg6[%broadcast_in_dim3A_48, %add3A_36], %broadcast_in_dim3A_3 : memref<19x2048xf32, #tpu.memory_space<vmem>>[vector<16xi32>, vector<16xi32>], vector<16xf32>,
      tpu.vector_store_idx %arg7[%broadcast_in_dim3A_48, %add3A_36], %broadcast_in_dim3A_3 : memref<19x2048xf32, #tpu.memory_space<vmem>>[vector<16xi32>, vector<16xi32>], vector<16xf32>,
      %broadcast_in_dim3A_49 = arith.constant 6 : i32
      %broadcast_in_dim3A_50 = vector.broadcast %broadcast_in_dim3A_49 : i32 to vector<16xi32>
      tpu.vector_store_idx %arg6[%broadcast_in_dim3A_50, %add3A_36], %broadcast_in_dim3A_3 : memref<19x2048xf32, #tpu.memory_space<vmem>>[vector<16xi32>, vector<16xi32>], vector<16xf32>,
      tpu.vector_store_idx %arg7[%broadcast_in_dim3A_50, %add3A_36], %broadcast_in_dim3A_3 : memref<19x2048xf32, #tpu.memory_space<vmem>>[vector<16xi32>, vector<16xi32>], vector<16xf32>,
      %broadcast_in_dim3A_51 = arith.constant 7 : i32
      %broadcast_in_dim3A_52 = vector.broadcast %broadcast_in_dim3A_51 : i32 to vector<16xi32>
      tpu.vector_store_idx %arg6[%broadcast_in_dim3A_52, %add3A_36], %broadcast_in_dim3A_3 : memref<19x2048xf32, #tpu.memory_space<vmem>>[vector<16xi32>, vector<16xi32>], vector<16xf32>,
      tpu.vector_store_idx %arg7[%broadcast_in_dim3A_52, %add3A_36], %broadcast_in_dim3A_3 : memref<19x2048xf32, #tpu.memory_space<vmem>>[vector<16xi32>, vector<16xi32>], vector<16xf32>,
      %broadcast_in_dim3A_53 = arith.constant 8 : i32
      %broadcast_in_dim3A_54 = vector.broadcast %broadcast_in_dim3A_53 : i32 to vector<16xi32>
      tpu.vector_store_idx %arg6[%broadcast_in_dim3A_54, %add3A_36], %broadcast_in_dim3A_3 : memref<19x2048xf32, #tpu.memory_space<vmem>>[vector<16xi32>, vector<16xi32>], vector<16xf32>,
      tpu.vector_store_idx %arg7[%broadcast_in_dim3A_54, %add3A_36], %broadcast_in_dim3A_3 : memref<19x2048xf32, #tpu.memory_space<vmem>>[vector<16xi32>, vector<16xi32>], vector<16xf32>,
      %broadcast_in_dim3A_55 = arith.constant 9 : i32
      %broadcast_in_dim3A_56 = vector.broadcast %broadcast_in_dim3A_55 : i32 to vector<16xi32>
      tpu.vector_store_idx %arg6[%broadcast_in_dim3A_56, %add3A_36], %broadcast_in_dim3A_3 : memref<19x2048xf32, #tpu.memory_space<vmem>>[vector<16xi32>, vector<16xi32>], vector<16xf32>,
      tpu.vector_store_idx %arg7[%broadcast_in_dim3A_56, %add3A_36], %broadcast_in_dim3A_3 : memref<19x2048xf32, #tpu.memory_space<vmem>>[vector<16xi32>, vector<16xi32>], vector<16xf32>,
      %broadcast_in_dim3A_57 = arith.constant 10 : i32
      %broadcast_in_dim3A_58 = vector.broadcast %broadcast_in_dim3A_57 : i32 to vector<16xi32>
      tpu.vector_store_idx %arg6[%broadcast_in_dim3A_58, %add3A_36], %broadcast_in_dim3A_3 : memref<19x2048xf32, #tpu.memory_space<vmem>>[vector<16xi32>, vector<16xi32>], vector<16xf32>,
      tpu.vector_store_idx %arg7[%broadcast_in_dim3A_58, %add3A_36], %broadcast_in_dim3A_3 : memref<19x2048xf32, #tpu.memory_space<vmem>>[vector<16xi32>, vector<16xi32>], vector<16xf32>,
      %broadcast_in_dim3A_59 = arith.constant 11 : i32
      %broadcast_in_dim3A_60 = vector.broadcast %broadcast_in_dim3A_59 : i32 to vector<16xi32>
      tpu.vector_store_idx %arg6[%broadcast_in_dim3A_60, %add3A_36], %broadcast_in_dim3A_3 : memref<19x2048xf32, #tpu.memory_space<vmem>>[vector<16xi32>, vector<16xi32>], vector<16xf32>,
      tpu.vector_store_idx %arg7[%broadcast_in_dim3A_60, %add3A_36], %broadcast_in_dim3A_3 : memref<19x2048xf32, #tpu.memory_space<vmem>>[vector<16xi32>, vector<16xi32>], vector<16xf32>,
      %broadcast_in_dim3A_61 = arith.constant 12 : i32
      %broadcast_in_dim3A_62 = vector.broadcast %broadcast_in_dim3A_61 : i32 to vector<16xi32>
      tpu.vector_store_idx %arg6[%broadcast_in_dim3A_62, %add3A_36], %broadcast_in_dim3A_3 : memref<19x2048xf32, #tpu.memory_space<vmem>>[vector<16xi32>, vector<16xi32>], vector<16xf32>,
      tpu.vector_store_idx %arg7[%broadcast_in_dim3A_62, %add3A_36], %broadcast_in_dim3A_3 : memref<19x2048xf32, #tpu.memory_space<vmem>>[vector<16xi32>, vector<16xi32>], vector<16xf32>,
      %broadcast_in_dim3A_63 = arith.constant 13 : i32
      %broadcast_in_dim3A_64 = vector.broadcast %broadcast_in_dim3A_63 : i32 to vector<16xi32>
      tpu.vector_store_idx %arg6[%broadcast_in_dim3A_64, %add3A_36], %broadcast_in_dim3A_3 : memref<19x2048xf32, #tpu.memory_space<vmem>>[vector<16xi32>, vector<16xi32>], vector<16xf32>,
      tpu.vector_store_idx %arg7[%broadcast_in_dim3A_64, %add3A_36], %broadcast_in_dim3A_3 : memref<19x2048xf32, #tpu.memory_space<vmem>>[vector<16xi32>, vector<16xi32>], vector<16xf32>,
      %broadcast_in_dim3A_65 = arith.constant 14 : i32
      %broadcast_in_dim3A_66 = vector.broadcast %broadcast_in_dim3A_65 : i32 to vector<16xi32>
      tpu.vector_store_idx %arg6[%broadcast_in_dim3A_66, %add3A_36], %broadcast_in_dim3A_3 : memref<19x2048xf32, #tpu.memory_space<vmem>>[vector<16xi32>, vector<16xi32>], vector<16xf32>,
      tpu.vector_store_idx %arg7[%broadcast_in_dim3A_66, %add3A_36], %broadcast_in_dim3A_3 : memref<19x2048xf32, #tpu.memory_space<vmem>>[vector<16xi32>, vector<16xi32>], vector<16xf32>,
      %broadcast_in_dim3A_67 = arith.constant 15 : i32
      %broadcast_in_dim3A_68 = vector.broadcast %broadcast_in_dim3A_67 : i32 to vector<16xi32>
      tpu.vector_store_idx %arg6[%broadcast_in_dim3A_68, %add3A_36], %broadcast_in_dim3A_3 : memref<19x2048xf32, #tpu.memory_space<vmem>>[vector<16xi32>, vector<16xi32>], vector<16xf32>,
      tpu.vector_store_idx %arg7[%broadcast_in_dim3A_68, %add3A_36], %broadcast_in_dim3A_3 : memref<19x2048xf32, #tpu.memory_space<vmem>>[vector<16xi32>, vector<16xi32>], vector<16xf32>,
      %broadcast_in_dim3A_69 = arith.constant 16 : i32
      %broadcast_in_dim3A_70 = vector.broadcast %broadcast_in_dim3A_69 : i32 to vector<16xi32>
      tpu.vector_store_idx %arg6[%broadcast_in_dim3A_70, %add3A_36], %broadcast_in_dim3A_3 : memref<19x2048xf32, #tpu.memory_space<vmem>>[vector<16xi32>, vector<16xi32>], vector<16xf32>,
      tpu.vector_store_idx %arg7[%broadcast_in_dim3A_70, %add3A_36], %broadcast_in_dim3A_3 : memref<19x2048xf32, #tpu.memory_space<vmem>>[vector<16xi32>, vector<16xi32>], vector<16xf32>,
      %broadcast_in_dim3A_71 = arith.constant 17 : i32
      %broadcast_in_dim3A_72 = vector.broadcast %broadcast_in_dim3A_71 : i32 to vector<16xi32>
      tpu.vector_store_idx %arg6[%broadcast_in_dim3A_72, %add3A_36], %broadcast_in_dim3A_3 : memref<19x2048xf32, #tpu.memory_space<vmem>>[vector<16xi32>, vector<16xi32>], vector<16xf32>,
      tpu.vector_store_idx %arg7[%broadcast_in_dim3A_72, %add3A_36], %broadcast_in_dim3A_3 : memref<19x2048xf32, #tpu.memory_space<vmem>>[vector<16xi32>, vector<16xi32>], vector<16xf32>,
      %broadcast_in_dim3A_73 = arith.constant 18 : i32
      %broadcast_in_dim3A_74 = vector.broadcast %broadcast_in_dim3A_73 : i32 to vector<16xi32>
      tpu.vector_store_idx %arg6[%broadcast_in_dim3A_74, %add3A_36], %broadcast_in_dim3A_3 : memref<19x2048xf32, #tpu.memory_space<vmem>>[vector<16xi32>, vector<16xi32>], vector<16xf32>,
      tpu.vector_store_idx %arg7[%broadcast_in_dim3A_74, %add3A_36], %broadcast_in_dim3A_3 : memref<19x2048xf32, #tpu.memory_space<vmem>>[vector<16xi32>, vector<16xi32>], vector<16xf32>,
      %mul3A_75 = arith.constant 16 : i32
      %mul3A_76 = arith.muli %scan3A_31, %mul3A_75 : i32
      %swap3A = arith.index_cast %mul3A_76 : i32 to index
      %swap3A_77 = tpu.vector_load %arg8[%swap3A] {strides = array<i32>} : memref<2048xi32, #tpu.memory_space<vmem>>, vector<16xi32>,
      tpu.vector_store %arg8[%swap3A], %broadcast_in_dim3A_5 {strides = array<i32>} : memref<2048xi32, #tpu.memory_space<vmem>>, vector<16xi32>,
      %mul3A_78 = arith.constant 16 : i32
      %mul3A_79 = arith.muli %scan3A_31, %mul3A_78 : i32
      %swap3A_80 = arith.index_cast %mul3A_79 : i32 to index
      %swap3A_81 = tpu.vector_load %arg9[%swap3A_80] {strides = array<i32>} : memref<2048xi32, #tpu.memory_space<vmem>>, vector<16xi32>,
      tpu.vector_store %arg9[%swap3A_80], %broadcast_in_dim3A_5 {strides = array<i32>} : memref<2048xi32, #tpu.memory_space<vmem>>, vector<16xi32>,
      %scan3A_82 = arith.constant 0 : i32
      scf.yield %scan3A_82 : i32
    }
    %scan3A_11 = arith.constant 128 : i32
    %dma_start3A = tpu.memref_slice %arg2[%mul3A_2] : memref<2097152xf32, #tpu.memory_space<hbm>> -> memref<2048xf32, #tpu.memory_space<hbm>>
    %dma_start3A_12 = tpu.memref_slice %arg2[%mul3A_2] : memref<2097152xf32, #tpu.memory_space<hbm>> -> memref<2048xf32, #tpu.memory_space<hbm>>
    tpu.enqueue_dma source(%dma_start3A_12 : memref<2048xf32, #tpu.memory_space<hbm>>) target(%arg4 : memref<2048xf32, #tpu.memory_space<vmem>>) target_semaphore(%arg12 : memref<!tpu.dma_semaphore, #tpu.memory_space<semaphore_mem>>)
    %scan3A_13 = arith.constant 0 : i32
    %scan3A_14 = arith.constant 0 : i32
    %scan3A_15 = arith.constant 16 : i32
    %scan3A_16 = arith.addi %scan3A_14, %scan3A_15 : i32
    %scan3A_17 = arith.constant 1 : i32
    %scan3A_18 = scf.for %scan3A_31 = %scan3A_14 to %scan3A_16 step %scan3A_17 iter_args(%scan3A_32 = %scan3A_13) -> (i32)  : i32 {
      %mul3A_33 = arith.constant 2 : i32
      %mul3A_34 = arith.muli %scan3A_31, %mul3A_33 : i32
      %add3A_35 = arith.constant 0 : i32
      %add3A_36 = arith.addi %mul3A_34, %add3A_35 : i32
      %mul3A_37 = arith.constant 2048 : i32
      %mul3A_38 = arith.muli %add3A_36, %mul3A_37 : i32
      %add3A_39 = arith.addi %mul3A_2, %mul3A_38 : i32
      %gt3A = arith.constant 0 : i32
      %gt3A_40 = arith.cmpi sgt, %scan3A_31, %gt3A : i32
      %convert_element_type3A = arith.extui %gt3A_40 : i1 to i32
      %cond3A = arith.constant 0 : i32
      %cond3A_41 = arith.cmpi ne, %convert_element_type3A, %cond3A : i32
      scf.if %cond3A_41 {
        %dma_wait3A_89 = arith.constant 0 : i32
        %dma_wait3A_90 = arith.constant 0 : i32
        %dma_wait3A_91 = tpu.memref_slice %arg3[%dma_wait3A_89, %dma_wait3A_90] : memref<19x2097152xf32, #tpu.memory_space<hbm>> -> memref<19x2048xf32, #tpu.memory_space<hbm>>
        %dma_wait3A_92 = arith.constant 0 : i32
        %dma_wait3A_93 = arith.constant 0 : i32
        %dma_wait3A_94 = tpu.memref_slice %arg3[%dma_wait3A_92, %dma_wait3A_93] : memref<19x2097152xf32, #tpu.memory_space<hbm>> -> memref<19x2048xf32, #tpu.memory_space<hbm>>
        tpu.wait_dma2 semaphore(%arg10 : memref<!tpu.dma_semaphore, #tpu.memory_space<semaphore_mem>>) src(%arg6 : memref<19x2048xf32, #tpu.memory_space<vmem>>) dst(%dma_wait3A_94 : memref<19x2048xf32, #tpu.memory_space<hbm>>)
      } else {
      }
      %dma_wait3A_42 = arith.constant 0 : i32
      %dma_wait3A_43 = tpu.memref_slice %arg2[%dma_wait3A_42] : memref<2097152xf32, #tpu.memory_space<hbm>> -> memref<2048xf32, #tpu.memory_space<hbm>>
      %dma_wait3A_44 = arith.constant 0 : i32
      %dma_wait3A_45 = tpu.memref_slice %arg2[%dma_wait3A_44] : memref<2097152xf32, #tpu.memory_space<hbm>> -> memref<2048xf32, #tpu.memory_space<hbm>>
      tpu.wait_dma2 semaphore(%arg12 : memref<!tpu.dma_semaphore, #tpu.memory_space<semaphore_mem>>) src(%dma_wait3A_45 : memref<2048xf32, #tpu.memory_space<hbm>>) dst(%arg4 : memref<2048xf32, #tpu.memory_space<vmem>>)
      %add3A_46 = arith.constant 1 : i32
      %add3A_47 = arith.addi %add3A_36, %add3A_46 : i32
      %lt3A = arith.constant 32 : i32
      %lt3A_48 = arith.cmpi slt, %add3A_47, %lt3A : i32
      %convert_element_type3A_49 = arith.extui %lt3A_48 : i1 to i32
      %cond3A_50 = arith.constant 0 : i32
      %cond3A_51 = arith.cmpi ne, %convert_element_type3A_49, %cond3A_50 : i32
      scf.if %cond3A_51 {
        %add3A_89 = arith.constant 2048 : i32
        %add3A_90 = arith.addi %add3A_39, %add3A_89 : i32
        %dma_start3A_91 = tpu.memref_slice %arg2[%add3A_90] : memref<2097152xf32, #tpu.memory_space<hbm>> -> memref<2048xf32, #tpu.memory_space<hbm>>
        %dma_start3A_92 = tpu.memref_slice %arg2[%add3A_90] : memref<2097152xf32, #tpu.memory_space<hbm>> -> memref<2048xf32, #tpu.memory_space<hbm>>
        tpu.enqueue_dma source(%dma_start3A_92 : memref<2048xf32, #tpu.memory_space<hbm>>) target(%arg5 : memref<2048xf32, #tpu.memory_space<vmem>>) target_semaphore(%arg13 : memref<!tpu.dma_semaphore, #tpu.memory_space<semaphore_mem>>)
      } else {
      }
      %parallel_loop3A = arith.constant 0 : i32
      %parallel_loop3A_52 = arith.constant 128 : i32
      %parallel_loop3A_53 = arith.constant 1 : i32
      scf.for %parallel_loop3A_89 = %parallel_loop3A to %parallel_loop3A_52 step %parallel_loop3A_53  : i32 {
        %parallel_loop3A_90 = arith.constant 16 : i32
        %parallel_loop3A_91 = arith.muli %parallel_loop3A_89, %parallel_loop3A_90 : i32
        %parallel_loop3A_92 = vector.broadcast %parallel_loop3A_91 : i32 to vector<16xi32>
        %parallel_loop3A_93 = arith.addi %parallel_loop3A_92, %iota3A : vector<16xi32>
        %parallel_loop3A_94 = arith.constant 16 : i32
        %parallel_loop3A_95 = arith.muli %parallel_loop3A_89, %parallel_loop3A_94 : i32
        %parallel_loop3A_96 = arith.index_cast %parallel_loop3A_95 : i32 to index
        %parallel_loop3A_97 = tpu.vector_load %arg8[%parallel_loop3A_96] {strides = array<i32>} : memref<2048xi32, #tpu.memory_space<vmem>>, vector<16xi32>,
        %parallel_loop3A_98 = arith.constant 19 : i32
        %parallel_loop3A_99 = vector.broadcast %parallel_loop3A_98 : i32 to vector<16xi32>
        %parallel_loop3A_100 = arith.cmpi slt, %parallel_loop3A_97, %parallel_loop3A_99 : vector<16xi32>
        tpu.vector_store_idx %arg6[%parallel_loop3A_97, %parallel_loop3A_93], %broadcast_in_dim3A_3 masked %parallel_loop3A_100 : memref<19x2048xf32, #tpu.memory_space<vmem>>[vector<16xi32>, vector<16xi32>], vector<16xf32>, vector<16xi1>
        %parallel_loop3A_101 = arith.constant 1 : i32
        %parallel_loop3A_102 = vector.broadcast %parallel_loop3A_101 : i32 to vector<16xi32>
        %parallel_loop3A_103 = arith.addi %parallel_loop3A_97, %parallel_loop3A_102 : vector<16xi32>
        %parallel_loop3A_104 = arith.constant 1 : i32
        %parallel_loop3A_105 = vector.broadcast %parallel_loop3A_104 : i32 to vector<16xi32>
        %parallel_loop3A_106 = arith.addi %parallel_loop3A_97, %parallel_loop3A_105 : vector<16xi32>
        %parallel_loop3A_107 = arith.constant 19 : i32
        %parallel_loop3A_108 = vector.broadcast %parallel_loop3A_107 : i32 to vector<16xi32>
        %parallel_loop3A_109 = arith.cmpi slt, %parallel_loop3A_106, %parallel_loop3A_108 : vector<16xi32>
        tpu.vector_store_idx %arg6[%parallel_loop3A_103, %parallel_loop3A_93], %broadcast_in_dim3A_3 masked %parallel_loop3A_109 : memref<19x2048xf32, #tpu.memory_space<vmem>>[vector<16xi32>, vector<16xi32>], vector<16xf32>, vector<16xi1>
        %parallel_loop3A_110 = arith.constant 16 : i32
        %parallel_loop3A_111 = arith.muli %parallel_loop3A_89, %parallel_loop3A_110 : i32
        %parallel_loop3A_112 = arith.index_cast %parallel_loop3A_111 : i32 to index
        %parallel_loop3A_113 = tpu.vector_load %arg4[%parallel_loop3A_112] {strides = array<i32>} : memref<2048xf32, #tpu.memory_space<vmem>>, vector<16xf32>,
        %parallel_loop3A_114 = math.absf %parallel_loop3A_113 : vector<16xf32>
        %parallel_loop3A_115 = arith.constant 1.000000e+00 : f32
        %parallel_loop3A_116 = vector.broadcast %parallel_loop3A_115 : f32 to vector<16xf32>
        %parallel_loop3A_117 = arith.addf %parallel_loop3A_114, %parallel_loop3A_116 : vector<16xf32>
        %parallel_loop3A_118 = vector.bitcast %parallel_loop3A_117 : vector<16xf32> to vector<16xi32>
        %parallel_loop3A_119 = arith.constant 1 : i32
        %parallel_loop3A_120 = vector.broadcast %parallel_loop3A_119 : i32 to vector<16xi32>
        %parallel_loop3A_121 = arith.shrsi %parallel_loop3A_118, %parallel_loop3A_120 : vector<16xi32>
        %parallel_loop3A_122 = arith.constant 1597463007 : i32
        %parallel_loop3A_123 = vector.broadcast %parallel_loop3A_122 : i32 to vector<16xi32>
        %parallel_loop3A_124 = arith.subi %parallel_loop3A_123, %parallel_loop3A_121 : vector<16xi32>
        %parallel_loop3A_125 = vector.bitcast %parallel_loop3A_124 : vector<16xi32> to vector<16xf32>
        %parallel_loop3A_126 = arith.constant 5.000000e-01 : f32
        %parallel_loop3A_127 = vector.broadcast %parallel_loop3A_126 : f32 to vector<16xf32>
        %parallel_loop3A_128 = arith.mulf %parallel_loop3A_127, %parallel_loop3A_117 : vector<16xf32>
        %parallel_loop3A_129 = arith.mulf %parallel_loop3A_128, %parallel_loop3A_125 : vector<16xf32>
        %parallel_loop3A_130 = arith.mulf %parallel_loop3A_129, %parallel_loop3A_125 : vector<16xf32>
        %parallel_loop3A_131 = arith.constant 1.500000e+00 : f32
        %parallel_loop3A_132 = vector.broadcast %parallel_loop3A_131 : f32 to vector<16xf32>
        %parallel_loop3A_133 = arith.subf %parallel_loop3A_132, %parallel_loop3A_130 : vector<16xf32>
        %parallel_loop3A_134 = arith.mulf %parallel_loop3A_125, %parallel_loop3A_133 : vector<16xf32>
        %parallel_loop3A_135 = arith.mulf %parallel_loop3A_128, %parallel_loop3A_134 : vector<16xf32>
        %parallel_loop3A_136 = arith.mulf %parallel_loop3A_135, %parallel_loop3A_134 : vector<16xf32>
        %parallel_loop3A_137 = arith.constant 1.500000e+00 : f32
        %parallel_loop3A_138 = vector.broadcast %parallel_loop3A_137 : f32 to vector<16xf32>
        %parallel_loop3A_139 = arith.subf %parallel_loop3A_138, %parallel_loop3A_136 : vector<16xf32>
        %parallel_loop3A_140 = arith.mulf %parallel_loop3A_134, %parallel_loop3A_139 : vector<16xf32>
        %parallel_loop3A_141 = arith.mulf %parallel_loop3A_117, %parallel_loop3A_140 : vector<16xf32>
        %parallel_loop3A_142 = tpu.bitcast %parallel_loop3A_113 : vector<16xf32> -> vector<16xi32>
        %parallel_loop3A_143 = arith.constant -2147483648 : i32
        %parallel_loop3A_144 = vector.broadcast %parallel_loop3A_143 : i32 to vector<16xi32>
        %parallel_loop3A_145 = arith.andi %parallel_loop3A_142, %parallel_loop3A_144 : vector<16xi32>
        %parallel_loop3A_146 = arith.constant 1065353216 : i32
        %parallel_loop3A_147 = vector.broadcast %parallel_loop3A_146 : i32 to vector<16xi32>
        %parallel_loop3A_148 = arith.ori %parallel_loop3A_147, %parallel_loop3A_145 : vector<16xi32>
        %parallel_loop3A_149 = tpu.bitcast %parallel_loop3A_148 : vector<16xi32> -> vector<16xf32>
        %parallel_loop3A_150 = math.absf %parallel_loop3A_113 : vector<16xf32>
        %parallel_loop3A_151 = arith.constant 0.000000e+00 : f32
        %parallel_loop3A_152 = vector.broadcast %parallel_loop3A_151 : f32 to vector<16xf32>
        %parallel_loop3A_153 = arith.cmpf ogt, %parallel_loop3A_150, %parallel_loop3A_152 : vector<16xf32>
        %parallel_loop3A_154 = arith.select %parallel_loop3A_153, %parallel_loop3A_149, %parallel_loop3A_113 : vector<16xi1>, vector<16xf32>
        %parallel_loop3A_155 = arith.constant 1.000000e+00 : f32
        %parallel_loop3A_156 = vector.broadcast %parallel_loop3A_155 : f32 to vector<16xf32>
        %parallel_loop3A_157 = arith.subf %parallel_loop3A_141, %parallel_loop3A_156 : vector<16xf32>
        %parallel_loop3A_158 = arith.constant 1.000000e-03 : f32
        %parallel_loop3A_159 = vector.broadcast %parallel_loop3A_158 : f32 to vector<16xf32>
        %parallel_loop3A_160 = arith.mulf %parallel_loop3A_159, %parallel_loop3A_113 : vector<16xf32>
        %parallel_loop3A_161 = arith.addf %parallel_loop3A_157, %parallel_loop3A_160 : vector<16xf32>
        %parallel_loop3A_162 = arith.mulf %parallel_loop3A_154, %parallel_loop3A_161 : vector<16xf32>
        %parallel_loop3A_163 = arith.constant 0.000000e+00 : f32
        %parallel_loop3A_164 = arith.constant 1.900000e+01 : f32
        %parallel_loop3A_165 = vector.broadcast %parallel_loop3A_163 : f32 to vector<16xf32>
        %parallel_loop3A_166 = arith.maximumf %parallel_loop3A_165, %parallel_loop3A_162 : vector<16xf32>
        %parallel_loop3A_167 = vector.broadcast %parallel_loop3A_164 : f32 to vector<16xf32>
        %parallel_loop3A_168 = arith.minimumf %parallel_loop3A_167, %parallel_loop3A_166 : vector<16xf32>
        %parallel_loop3A_169 = arith.fptosi %parallel_loop3A_168 : vector<16xf32> to vector<16xi32>
        %parallel_loop3A_170 = arith.sitofp %parallel_loop3A_169 : vector<16xi32> to vector<16xf32>
        %parallel_loop3A_171 = arith.subf %parallel_loop3A_168, %parallel_loop3A_170 : vector<16xf32>
        %parallel_loop3A_172 = arith.constant 1.000000e+00 : f32
        %parallel_loop3A_173 = vector.broadcast %parallel_loop3A_172 : f32 to vector<16xf32>
        %parallel_loop3A_174 = arith.subf %parallel_loop3A_173, %parallel_loop3A_171 : vector<16xf32>
        %parallel_loop3A_175 = arith.constant 19 : i32
        %parallel_loop3A_176 = vector.broadcast %parallel_loop3A_175 : i32 to vector<16xi32>
        %parallel_loop3A_177 = arith.cmpi slt, %parallel_loop3A_169, %parallel_loop3A_176 : vector<16xi32>
        tpu.vector_store_idx %arg6[%parallel_loop3A_169, %parallel_loop3A_93], %parallel_loop3A_174 masked %parallel_loop3A_177 : memref<19x2048xf32, #tpu.memory_space<vmem>>[vector<16xi32>, vector<16xi32>], vector<16xf32>, vector<16xi1>
        %parallel_loop3A_178 = arith.constant 1 : i32
        %parallel_loop3A_179 = vector.broadcast %parallel_loop3A_178 : i32 to vector<16xi32>
        %parallel_loop3A_180 = arith.addi %parallel_loop3A_169, %parallel_loop3A_179 : vector<16xi32>
        %parallel_loop3A_181 = arith.constant 1 : i32
        %parallel_loop3A_182 = vector.broadcast %parallel_loop3A_181 : i32 to vector<16xi32>
        %parallel_loop3A_183 = arith.addi %parallel_loop3A_169, %parallel_loop3A_182 : vector<16xi32>
        %parallel_loop3A_184 = arith.constant 19 : i32
        %parallel_loop3A_185 = vector.broadcast %parallel_loop3A_184 : i32 to vector<16xi32>
        %parallel_loop3A_186 = arith.cmpi slt, %parallel_loop3A_183, %parallel_loop3A_185 : vector<16xi32>
        tpu.vector_store_idx %arg6[%parallel_loop3A_180, %parallel_loop3A_93], %parallel_loop3A_171 masked %parallel_loop3A_186 : memref<19x2048xf32, #tpu.memory_space<vmem>>[vector<16xi32>, vector<16xi32>], vector<16xf32>, vector<16xi1>
        %parallel_loop3A_187 = arith.constant 16 : i32
        %parallel_loop3A_188 = arith.muli %parallel_loop3A_89, %parallel_loop3A_187 : i32
        %parallel_loop3A_189 = arith.index_cast %parallel_loop3A_188 : i32 to index
        %parallel_loop3A_190 = tpu.vector_load %arg8[%parallel_loop3A_189] {strides = array<i32>} : memref<2048xi32, #tpu.memory_space<vmem>>, vector<16xi32>,
        tpu.vector_store %arg8[%parallel_loop3A_189], %parallel_loop3A_169 {strides = array<i32>} : memref<2048xi32, #tpu.memory_space<vmem>>, vector<16xi32>,
      } {sc.loop_unroll_factor = 4 : i64, sc.parallel_access}
      %dma_start3A_54 = arith.constant 0 : i32
      %dma_start3A_55 = tpu.memref_slice %arg3[%dma_start3A_54, %add3A_39] : memref<19x2097152xf32, #tpu.memory_space<hbm>> -> memref<19x2048xf32, #tpu.memory_space<hbm>>
      %dma_start3A_56 = arith.constant 0 : i32
      %dma_start3A_57 = tpu.memref_slice %arg3[%dma_start3A_56, %add3A_39] : memref<19x2097152xf32, #tpu.memory_space<hbm>> -> memref<19x2048xf32, #tpu.memory_space<hbm>>
      tpu.enqueue_dma source(%arg6 : memref<19x2048xf32, #tpu.memory_space<vmem>>) target(%dma_start3A_57 : memref<19x2048xf32, #tpu.memory_space<hbm>>) target_semaphore(%arg10 : memref<!tpu.dma_semaphore, #tpu.memory_space<semaphore_mem>>)
      %mul3A_58 = arith.constant 2 : i32
      %mul3A_59 = arith.muli %scan3A_31, %mul3A_58 : i32
      %add3A_60 = arith.constant 1 : i32
      %add3A_61 = arith.addi %mul3A_59, %add3A_60 : i32
      %mul3A_62 = arith.constant 2048 : i32
      %mul3A_63 = arith.muli %add3A_61, %mul3A_62 : i32
      %add3A_64 = arith.addi %mul3A_2, %mul3A_63 : i32
      %gt3A_65 = arith.constant 0 : i32
      %gt3A_66 = arith.cmpi sgt, %scan3A_31, %gt3A_65 : i32
      %convert_element_type3A_67 = arith.extui %gt3A_66 : i1 to i32
      %cond3A_68 = arith.constant 0 : i32
      %cond3A_69 = arith.cmpi ne, %convert_element_type3A_67, %cond3A_68 : i32
      scf.if %cond3A_69 {
        %dma_wait3A_89 = arith.constant 0 : i32
        %dma_wait3A_90 = arith.constant 0 : i32
        %dma_wait3A_91 = tpu.memref_slice %arg3[%dma_wait3A_89, %dma_wait3A_90] : memref<19x2097152xf32, #tpu.memory_space<hbm>> -> memref<19x2048xf32, #tpu.memory_space<hbm>>
        %dma_wait3A_92 = arith.constant 0 : i32
        %dma_wait3A_93 = arith.constant 0 : i32
        %dma_wait3A_94 = tpu.memref_slice %arg3[%dma_wait3A_92, %dma_wait3A_93] : memref<19x2097152xf32, #tpu.memory_space<hbm>> -> memref<19x2048xf32, #tpu.memory_space<hbm>>
        tpu.wait_dma2 semaphore(%arg11 : memref<!tpu.dma_semaphore, #tpu.memory_space<semaphore_mem>>) src(%arg7 : memref<19x2048xf32, #tpu.memory_space<vmem>>) dst(%dma_wait3A_94 : memref<19x2048xf32, #tpu.memory_space<hbm>>)
      } else {
      }
      %dma_wait3A_70 = arith.constant 0 : i32
      %dma_wait3A_71 = tpu.memref_slice %arg2[%dma_wait3A_70] : memref<2097152xf32, #tpu.memory_space<hbm>> -> memref<2048xf32, #tpu.memory_space<hbm>>
      %dma_wait3A_72 = arith.constant 0 : i32
      %dma_wait3A_73 = tpu.memref_slice %arg2[%dma_wait3A_72] : memref<2097152xf32, #tpu.memory_space<hbm>> -> memref<2048xf32, #tpu.memory_space<hbm>>
      tpu.wait_dma2 semaphore(%arg13 : memref<!tpu.dma_semaphore, #tpu.memory_space<semaphore_mem>>) src(%dma_wait3A_73 : memref<2048xf32, #tpu.memory_space<hbm>>) dst(%arg5 : memref<2048xf32, #tpu.memory_space<vmem>>)
      %add3A_74 = arith.constant 1 : i32
      %add3A_75 = arith.addi %add3A_61, %add3A_74 : i32
      %lt3A_76 = arith.constant 32 : i32
      %lt3A_77 = arith.cmpi slt, %add3A_75, %lt3A_76 : i32
      %convert_element_type3A_78 = arith.extui %lt3A_77 : i1 to i32
      %cond3A_79 = arith.constant 0 : i32
      %cond3A_80 = arith.cmpi ne, %convert_element_type3A_78, %cond3A_79 : i32
      scf.if %cond3A_80 {
        %add3A_89 = arith.constant 2048 : i32
        %add3A_90 = arith.addi %add3A_64, %add3A_89 : i32
        %dma_start3A_91 = tpu.memref_slice %arg2[%add3A_90] : memref<2097152xf32, #tpu.memory_space<hbm>> -> memref<2048xf32, #tpu.memory_space<hbm>>
        %dma_start3A_92 = tpu.memref_slice %arg2[%add3A_90] : memref<2097152xf32, #tpu.memory_space<hbm>> -> memref<2048xf32, #tpu.memory_space<hbm>>
        tpu.enqueue_dma source(%dma_start3A_92 : memref<2048xf32, #tpu.memory_space<hbm>>) target(%arg4 : memref<2048xf32, #tpu.memory_space<vmem>>) target_semaphore(%arg12 : memref<!tpu.dma_semaphore, #tpu.memory_space<semaphore_mem>>)
      } else {
      }
      %parallel_loop3A_81 = arith.constant 0 : i32
      %parallel_loop3A_82 = arith.constant 128 : i32
      %parallel_loop3A_83 = arith.constant 1 : i32
      scf.for %parallel_loop3A_89 = %parallel_loop3A_81 to %parallel_loop3A_82 step %parallel_loop3A_83  : i32 {
        %parallel_loop3A_90 = arith.constant 16 : i32
        %parallel_loop3A_91 = arith.muli %parallel_loop3A_89, %parallel_loop3A_90 : i32
        %parallel_loop3A_92 = vector.broadcast %parallel_loop3A_91 : i32 to vector<16xi32>
        %parallel_loop3A_93 = arith.addi %parallel_loop3A_92, %iota3A : vector<16xi32>
        %parallel_loop3A_94 = arith.constant 16 : i32
        %parallel_loop3A_95 = arith.muli %parallel_loop3A_89, %parallel_loop3A_94 : i32
        %parallel_loop3A_96 = arith.index_cast %parallel_loop3A_95 : i32 to index
        %parallel_loop3A_97 = tpu.vector_load %arg9[%parallel_loop3A_96] {strides = array<i32>} : memref<2048xi32, #tpu.memory_space<vmem>>, vector<16xi32>,
        %parallel_loop3A_98 = arith.constant 19 : i32
        %parallel_loop3A_99 = vector.broadcast %parallel_loop3A_98 : i32 to vector<16xi32>
        %parallel_loop3A_100 = arith.cmpi slt, %parallel_loop3A_97, %parallel_loop3A_99 : vector<16xi32>
        tpu.vector_store_idx %arg7[%parallel_loop3A_97, %parallel_loop3A_93], %broadcast_in_dim3A_3 masked %parallel_loop3A_100 : memref<19x2048xf32, #tpu.memory_space<vmem>>[vector<16xi32>, vector<16xi32>], vector<16xf32>, vector<16xi1>
        %parallel_loop3A_101 = arith.constant 1 : i32
        %parallel_loop3A_102 = vector.broadcast %parallel_loop3A_101 : i32 to vector<16xi32>
        %parallel_loop3A_103 = arith.addi %parallel_loop3A_97, %parallel_loop3A_102 : vector<16xi32>
        %parallel_loop3A_104 = arith.constant 1 : i32
        %parallel_loop3A_105 = vector.broadcast %parallel_loop3A_104 : i32 to vector<16xi32>
        %parallel_loop3A_106 = arith.addi %parallel_loop3A_97, %parallel_loop3A_105 : vector<16xi32>
        %parallel_loop3A_107 = arith.constant 19 : i32
        %parallel_loop3A_108 = vector.broadcast %parallel_loop3A_107 : i32 to vector<16xi32>
        %parallel_loop3A_109 = arith.cmpi slt, %parallel_loop3A_106, %parallel_loop3A_108 : vector<16xi32>
        tpu.vector_store_idx %arg7[%parallel_loop3A_103, %parallel_loop3A_93], %broadcast_in_dim3A_3 masked %parallel_loop3A_109 : memref<19x2048xf32, #tpu.memory_space<vmem>>[vector<16xi32>, vector<16xi32>], vector<16xf32>, vector<16xi1>
        %parallel_loop3A_110 = arith.constant 16 : i32
        %parallel_loop3A_111 = arith.muli %parallel_loop3A_89, %parallel_loop3A_110 : i32
        %parallel_loop3A_112 = arith.index_cast %parallel_loop3A_111 : i32 to index
        %parallel_loop3A_113 = tpu.vector_load %arg5[%parallel_loop3A_112] {strides = array<i32>} : memref<2048xf32, #tpu.memory_space<vmem>>, vector<16xf32>,
        %parallel_loop3A_114 = math.absf %parallel_loop3A_113 : vector<16xf32>
        %parallel_loop3A_115 = arith.constant 1.000000e+00 : f32
        %parallel_loop3A_116 = vector.broadcast %parallel_loop3A_115 : f32 to vector<16xf32>
        %parallel_loop3A_117 = arith.addf %parallel_loop3A_114, %parallel_loop3A_116 : vector<16xf32>
        %parallel_loop3A_118 = vector.bitcast %parallel_loop3A_117 : vector<16xf32> to vector<16xi32>
        %parallel_loop3A_119 = arith.constant 1 : i32
        %parallel_loop3A_120 = vector.broadcast %parallel_loop3A_119 : i32 to vector<16xi32>
        %parallel_loop3A_121 = arith.shrsi %parallel_loop3A_118, %parallel_loop3A_120 : vector<16xi32>
        %parallel_loop3A_122 = arith.constant 1597463007 : i32
        %parallel_loop3A_123 = vector.broadcast %parallel_loop3A_122 : i32 to vector<16xi32>
        %parallel_loop3A_124 = arith.subi %parallel_loop3A_123, %parallel_loop3A_121 : vector<16xi32>
        %parallel_loop3A_125 = vector.bitcast %parallel_loop3A_124 : vector<16xi32> to vector<16xf32>
        %parallel_loop3A_126 = arith.constant 5.000000e-01 : f32
        %parallel_loop3A_127 = vector.broadcast %parallel_loop3A_126 : f32 to vector<16xf32>
        %parallel_loop3A_128 = arith.mulf %parallel_loop3A_127, %parallel_loop3A_117 : vector<16xf32>
        %parallel_loop3A_129 = arith.mulf %parallel_loop3A_128, %parallel_loop3A_125 : vector<16xf32>
        %parallel_loop3A_130 = arith.mulf %parallel_loop3A_129, %parallel_loop3A_125 : vector<16xf32>
        %parallel_loop3A_131 = arith.constant 1.500000e+00 : f32
        %parallel_loop3A_132 = vector.broadcast %parallel_loop3A_131 : f32 to vector<16xf32>
        %parallel_loop3A_133 = arith.subf %parallel_loop3A_132, %parallel_loop3A_130 : vector<16xf32>
        %parallel_loop3A_134 = arith.mulf %parallel_loop3A_125, %parallel_loop3A_133 : vector<16xf32>
        %parallel_loop3A_135 = arith.mulf %parallel_loop3A_128, %parallel_loop3A_134 : vector<16xf32>
        %parallel_loop3A_136 = arith.mulf %parallel_loop3A_135, %parallel_loop3A_134 : vector<16xf32>
        %parallel_loop3A_137 = arith.constant 1.500000e+00 : f32
        %parallel_loop3A_138 = vector.broadcast %parallel_loop3A_137 : f32 to vector<16xf32>
        %parallel_loop3A_139 = arith.subf %parallel_loop3A_138, %parallel_loop3A_136 : vector<16xf32>
        %parallel_loop3A_140 = arith.mulf %parallel_loop3A_134, %parallel_loop3A_139 : vector<16xf32>
        %parallel_loop3A_141 = arith.mulf %parallel_loop3A_117, %parallel_loop3A_140 : vector<16xf32>
        %parallel_loop3A_142 = tpu.bitcast %parallel_loop3A_113 : vector<16xf32> -> vector<16xi32>
        %parallel_loop3A_143 = arith.constant -2147483648 : i32
        %parallel_loop3A_144 = vector.broadcast %parallel_loop3A_143 : i32 to vector<16xi32>
        %parallel_loop3A_145 = arith.andi %parallel_loop3A_142, %parallel_loop3A_144 : vector<16xi32>
        %parallel_loop3A_146 = arith.constant 1065353216 : i32
        %parallel_loop3A_147 = vector.broadcast %parallel_loop3A_146 : i32 to vector<16xi32>
        %parallel_loop3A_148 = arith.ori %parallel_loop3A_147, %parallel_loop3A_145 : vector<16xi32>
        %parallel_loop3A_149 = tpu.bitcast %parallel_loop3A_148 : vector<16xi32> -> vector<16xf32>
        %parallel_loop3A_150 = math.absf %parallel_loop3A_113 : vector<16xf32>
        %parallel_loop3A_151 = arith.constant 0.000000e+00 : f32
        %parallel_loop3A_152 = vector.broadcast %parallel_loop3A_151 : f32 to vector<16xf32>
        %parallel_loop3A_153 = arith.cmpf ogt, %parallel_loop3A_150, %parallel_loop3A_152 : vector<16xf32>
        %parallel_loop3A_154 = arith.select %parallel_loop3A_153, %parallel_loop3A_149, %parallel_loop3A_113 : vector<16xi1>, vector<16xf32>
        %parallel_loop3A_155 = arith.constant 1.000000e+00 : f32
        %parallel_loop3A_156 = vector.broadcast %parallel_loop3A_155 : f32 to vector<16xf32>
        %parallel_loop3A_157 = arith.subf %parallel_loop3A_141, %parallel_loop3A_156 : vector<16xf32>
        %parallel_loop3A_158 = arith.constant 1.000000e-03 : f32
        %parallel_loop3A_159 = vector.broadcast %parallel_loop3A_158 : f32 to vector<16xf32>
        %parallel_loop3A_160 = arith.mulf %parallel_loop3A_159, %parallel_loop3A_113 : vector<16xf32>
        %parallel_loop3A_161 = arith.addf %parallel_loop3A_157, %parallel_loop3A_160 : vector<16xf32>
        %parallel_loop3A_162 = arith.mulf %parallel_loop3A_154, %parallel_loop3A_161 : vector<16xf32>
        %parallel_loop3A_163 = arith.constant 0.000000e+00 : f32
        %parallel_loop3A_164 = arith.constant 1.900000e+01 : f32
        %parallel_loop3A_165 = vector.broadcast %parallel_loop3A_163 : f32 to vector<16xf32>
        %parallel_loop3A_166 = arith.maximumf %parallel_loop3A_165, %parallel_loop3A_162 : vector<16xf32>
        %parallel_loop3A_167 = vector.broadcast %parallel_loop3A_164 : f32 to vector<16xf32>
        %parallel_loop3A_168 = arith.minimumf %parallel_loop3A_167, %parallel_loop3A_166 : vector<16xf32>
        %parallel_loop3A_169 = arith.fptosi %parallel_loop3A_168 : vector<16xf32> to vector<16xi32>
        %parallel_loop3A_170 = arith.sitofp %parallel_loop3A_169 : vector<16xi32> to vector<16xf32>
        %parallel_loop3A_171 = arith.subf %parallel_loop3A_168, %parallel_loop3A_170 : vector<16xf32>
        %parallel_loop3A_172 = arith.constant 1.000000e+00 : f32
        %parallel_loop3A_173 = vector.broadcast %parallel_loop3A_172 : f32 to vector<16xf32>
        %parallel_loop3A_174 = arith.subf %parallel_loop3A_173, %parallel_loop3A_171 : vector<16xf32>
        %parallel_loop3A_175 = arith.constant 19 : i32
        %parallel_loop3A_176 = vector.broadcast %parallel_loop3A_175 : i32 to vector<16xi32>
        %parallel_loop3A_177 = arith.cmpi slt, %parallel_loop3A_169, %parallel_loop3A_176 : vector<16xi32>
        tpu.vector_store_idx %arg7[%parallel_loop3A_169, %parallel_loop3A_93], %parallel_loop3A_174 masked %parallel_loop3A_177 : memref<19x2048xf32, #tpu.memory_space<vmem>>[vector<16xi32>, vector<16xi32>], vector<16xf32>, vector<16xi1>
        %parallel_loop3A_178 = arith.constant 1 : i32
        %parallel_loop3A_179 = vector.broadcast %parallel_loop3A_178 : i32 to vector<16xi32>
        %parallel_loop3A_180 = arith.addi %parallel_loop3A_169, %parallel_loop3A_179 : vector<16xi32>
        %parallel_loop3A_181 = arith.constant 1 : i32
        %parallel_loop3A_182 = vector.broadcast %parallel_loop3A_181 : i32 to vector<16xi32>
        %parallel_loop3A_183 = arith.addi %parallel_loop3A_169, %parallel_loop3A_182 : vector<16xi32>
        %parallel_loop3A_184 = arith.constant 19 : i32
        %parallel_loop3A_185 = vector.broadcast %parallel_loop3A_184 : i32 to vector<16xi32>
        %parallel_loop3A_186 = arith.cmpi slt, %parallel_loop3A_183, %parallel_loop3A_185 : vector<16xi32>
        tpu.vector_store_idx %arg7[%parallel_loop3A_180, %parallel_loop3A_93], %parallel_loop3A_171 masked %parallel_loop3A_186 : memref<19x2048xf32, #tpu.memory_space<vmem>>[vector<16xi32>, vector<16xi32>], vector<16xf32>, vector<16xi1>
        %parallel_loop3A_187 = arith.constant 16 : i32
        %parallel_loop3A_188 = arith.muli %parallel_loop3A_89, %parallel_loop3A_187 : i32
        %parallel_loop3A_189 = arith.index_cast %parallel_loop3A_188 : i32 to index
        %parallel_loop3A_190 = tpu.vector_load %arg9[%parallel_loop3A_189] {strides = array<i32>} : memref<2048xi32, #tpu.memory_space<vmem>>, vector<16xi32>,
        tpu.vector_store %arg9[%parallel_loop3A_189], %parallel_loop3A_169 {strides = array<i32>} : memref<2048xi32, #tpu.memory_space<vmem>>, vector<16xi32>,
      } {sc.loop_unroll_factor = 4 : i64, sc.parallel_access}
      %dma_start3A_84 = arith.constant 0 : i32
      %dma_start3A_85 = tpu.memref_slice %arg3[%dma_start3A_84, %add3A_64] : memref<19x2097152xf32, #tpu.memory_space<hbm>> -> memref<19x2048xf32, #tpu.memory_space<hbm>>
      %dma_start3A_86 = arith.constant 0 : i32
      %dma_start3A_87 = tpu.memref_slice %arg3[%dma_start3A_86, %add3A_64] : memref<19x2097152xf32, #tpu.memory_space<hbm>> -> memref<19x2048xf32, #tpu.memory_space<hbm>>
      tpu.enqueue_dma source(%arg7 : memref<19x2048xf32, #tpu.memory_space<vmem>>) target(%dma_start3A_87 : memref<19x2048xf32, #tpu.memory_space<hbm>>) target_semaphore(%arg11 : memref<!tpu.dma_semaphore, #tpu.memory_space<semaphore_mem>>)
      %scan3A_88 = arith.constant 0 : i32
      scf.yield %scan3A_88 : i32
    }
    %scan3A_19 = arith.constant 16 : i32
    %dma_wait3A = arith.constant 0 : i32
    %dma_wait3A_20 = arith.constant 0 : i32
    %dma_wait3A_21 = tpu.memref_slice %arg3[%dma_wait3A, %dma_wait3A_20] : memref<19x2097152xf32, #tpu.memory_space<hbm>> -> memref<19x2048xf32, #tpu.memory_space<hbm>>
    %dma_wait3A_22 = arith.constant 0 : i32
    %dma_wait3A_23 = arith.constant 0 : i32
    %dma_wait3A_24 = tpu.memref_slice %arg3[%dma_wait3A_22, %dma_wait3A_23] : memref<19x2097152xf32, #tpu.memory_space<hbm>> -> memref<19x2048xf32, #tpu.memory_space<hbm>>
    tpu.wait_dma2 semaphore(%arg10 : memref<!tpu.dma_semaphore, #tpu.memory_space<semaphore_mem>>) src(%arg6 : memref<19x2048xf32, #tpu.memory_space<vmem>>) dst(%dma_wait3A_24 : memref<19x2048xf32, #tpu.memory_space<hbm>>)
    %dma_wait3A_25 = arith.constant 0 : i32
    %dma_wait3A_26 = arith.constant 0 : i32
    %dma_wait3A_27 = tpu.memref_slice %arg3[%dma_wait3A_25, %dma_wait3A_26] : memref<19x2097152xf32, #tpu.memory_space<hbm>> -> memref<19x2048xf32, #tpu.memory_space<hbm>>
    %dma_wait3A_28 = arith.constant 0 : i32
    %dma_wait3A_29 = arith.constant 0 : i32
    %dma_wait3A_30 = tpu.memref_slice %arg3[%dma_wait3A_28, %dma_wait3A_29] : memref<19x2097152xf32, #tpu.memory_space<hbm>> -> memref<19x2048xf32, #tpu.memory_space<hbm>>
    tpu.wait_dma2 semaphore(%arg11 : memref<!tpu.dma_semaphore, #tpu.memory_space<semaphore_mem>>) src(%arg7 : memref<19x2048xf32, #tpu.memory_space<vmem>>) dst(%dma_wait3A_30 : memref<19x2048xf32, #tpu.memory_space<hbm>>)
    return
  }
}

</mosaic_0001>

<sc_bundles>
// kernel: kernel.3.cloned.1.call-start
scs
__scs_entry_jumppad:
0x0: {  	(pc) =	sbr.rel $0x88, $3  }
0x1: {  	(tag) =	ssettag $0x0;
	lr =	simm.s32 $0x1  }
0x2: {  	[smem:$0x3FA0] =	sst lr;
	_ =	strace $0xD0000000  }
0x3: {  	_ = 	snop  }
0x4: {  	_ = 	snop  }
0x5: {  	_ = 	snop  }
0x6: {  	_ = 	snop  }
0x7: {  	_ = 	snop  }
__scs_overlays_trampoline_lowered:
0x8: {  	[smem:$0x3FAF] =	sst s0  }
0x9: {  	[smem:$0x3FB0] =	sst s1  }
0xa: {  	[smem:$0x3FB1] =	sst s2  }
0xb: {  	[smem:$0x3FB2] =	sst s3  }
0xc: {  	[smem:$0x3FB3] =	sst s4  }
0xd: {  	[smem:$0x3FB4] =	sst s5  }
0xe: {  	[smem:$0x3FB5] =	sst s6  }
0xf: {  	[smem:$0x3FB6] =	sst s7  }
0x10: {  	[smem:$0x3FB7] =	sst s8  }
0x11: {  	[smem:$0x3FB8] =	sst s9;
	s0 =	simm.s32 @!p0 $0x0  }
0x12: {  	s1 =	sld [smem:$0x3F9E];
	s0 =	simm.s32 @p0 $0x1  }
0x13: {  	[smem:$0x3FB9] =	sst s0;
	s0 =	simm.s32 @!p1 $0x0  }
0x14: {  	s2 =	sld [smem:$0x3F9D];
	s0 =	simm.s32 @p1 $0x1  }
0x15: {  	[smem:$0x3FBA] =	sst s0;
	s0 =	simm.s32 @!p2 $0x0  }
0x16: {  	s3 =	sld [smem:$0x3FDB];
	s0 =	simm.s32 @p2 $0x1  }
0x17: {  	s4 =	simm.s32 $0x1BF5;
	[smem:$0x3FBC] =	sst s0  }
0x18: {  	s0 =	sld [smem:$0x3F9F];
	_ =	swait.ge [sflag:s4], $0x0  }
0x19: {  	s7 =	sld [smem:$0x3FA0]  }
0x1a: {  	s8 =	sadd.s32 $0xFFFFE003, lr  }
0x1b: {  	s9 =	sadd.s32 $0xFFFFFEF7, lr;
	s5 =	simm.s32 $0xFFFFFFFF;
	p2 =	slt.u32 s8, $0xFFFFF086  }
0x1c: {  	p1 =	slt.u32 s9, $0xF7A;
	s5 =	simm.s32 @!p2 $0x0  }
0x1d: {  	s5 =	simm.s32 @p1 $0x1;
	p0 =	seq.s32 s7, s2  }
0x1e: {  	s7 =	smul.u32 @!p0 $0xF7A, s2;
	p2 =	seq.s32 @!p0 s5, $0x0  }
0x1f: {  	s9 =	smul.u32 $0xF7A, s1;
	s8 =	simm.s32 @!p0 $0x1BF5;
	p2 =	por !p2, p0  }
0x20: {  	[sflag:s8] =	ssyncset.s32 @!p0 $0xFFFFF086;
	s6 =	sadd.s32 @!p0 s3, s7;
	s7 =	simm.s32 @!p0 $0x108  }
0x21: {  	s3 =	sadd.s32 s3, s9;
	s6 =	sadd.s32 @!p0 $0x88, s6;
	s7 =	simm.s32 @p2 $0x1082  }
0x22: {  	[simem:s7], [sflag:s8] =	dma.local @!p0 [hbm:s6], $0xF7A  }
0x23: {  	s9 =	sor.u32 $0xD0000000, s2;
	s6 =	simm.s32 $0x108;
	_ =	swait.ge @!p0 [sflag:s8], $0x0  }
0x24: {  	s3 =	sadd.s32 $0x88, s3;
	s6 =	simm.s32 @!p1 $0x1082;
	[sflag:s4] =	ssyncset.s32 $0xFFFFF086  }
0x25: {  	[simem:s6], [sflag:s4] =	dma.local [hbm:s3], $0xF7A  }
0x26: {  	[smem:$0x3FA0] =	sst s1;
	(tag) =	ssettag s2;
	_ =	strace s9  }
0x27: {  	s1 =	sld [smem:$0x3FB0]  }
0x28: {  	s2 =	sld [smem:$0x3FB1]  }
0x29: {  	s4 =	sld [smem:$0x3FB3]  }
0x2a: {  	p0 =	seq.s32 s5, $0x0;
	s5 =	sld [smem:$0x3FB4]  }
0x2b: {  	s6 =	sld [smem:$0x3FB5]  }
0x2c: {  	s7 =	sld [smem:$0x3FB6]  }
0x2d: {  	s3 =	simm.s32 $0x108;
	s8 =	sld [smem:$0x3FB7]  }
0x2e: {  	s3 =	simm.s32 @!p0 $0x1082;
	s9 =	sld [smem:$0x3FB8]  }
0x2f: {  	lr =	sadd.s32 s0, s3;
	s0 =	sld [smem:$0x3FAF]  }
0x30: {  	s3 =	sld [smem:$0x3FB2]  }
0x31: {  	[smem:$0x3FBB] =	sst s10  }
0x32: {  	s10 =	sld [smem:$0x3FB9];
	_ =	sdelay $0x3  }
0x33: {  	p0 =	seq.s32 s10, $0x1;
	s10 =	sld [smem:$0x3FBB];
	_ =	sdelay $0x3  }
0x34: {  	[smem:$0x3FBB] =	sst s10  }
0x35: {  	s10 =	sld [smem:$0x3FBA];
	_ =	sdelay $0x3  }
0x36: {  	p1 =	seq.s32 s10, $0x1;
	s10 =	sld [smem:$0x3FBB];
	_ =	sdelay $0x3  }
0x37: {  	[smem:$0x3FBB] =	sst s10  }
0x38: {  	s10 =	sld [smem:$0x3FBC]  }
0x39: {  	_ = 	snop;
	(pc) =	sbr.ind lr, $3  }
0x3a: {  	_ = 	snop  }
0x3b: {  	_ = 	snop  }
0x3c: {  	p2 =	seq.s32 s10, $0x1;
	s10 =	sld [smem:$0x3FBB]  }
0x3d: {  	_ =	shalt  }
0x3e: {  	_ =	shalt  }
0x3f: {  	_ =	shalt  }
0x40: {  	_ =	shalt  }
0x41: {  	_ =	shalt  }
0x42: {  	_ =	shalt  }
0x43: {  	_ =	shalt  }
0x44: {  	_ =	shalt  }
0x45: {  	_ =	shalt  }
0x46: {  	_ =	shalt  }
0x47: {  	_ =	shalt  }
0x48: {  	_ =	shalt  }
0x49: {  	_ =	shalt  }
0x4a: {  	_ =	shalt  }
0x4b: {  	_ =	shalt  }
0x4c: {  	_ =	shalt  }
0x4d: {  	_ =	shalt  }
0x4e: {  	_ =	shalt  }
0x4f: {  	_ =	shalt  }
0x50: {  	_ =	shalt  }
0x51: {  	_ =	shalt  }
0x52: {  	_ =	shalt  }
0x53: {  	_ =	shalt  }
0x54: {  	_ =	shalt  }
0x55: {  	_ =	shalt  }
0x56: {  	_ =	shalt  }
0x57: {  	_ =	shalt  }
0x58: {  	_ =	shalt  }
0x59: {  	_ =	shalt  }
0x5a: {  	_ =	shalt  }
0x5b: {  	_ =	shalt  }
0x5c: {  	_ =	shalt  }
0x5d: {  	_ =	shalt  }
0x5e: {  	_ =	shalt  }
0x5f: {  	_ =	shalt  }
0x60: {  	_ =	shalt  }
0x61: {  	_ =	shalt  }
0x62: {  	_ =	shalt  }
0x63: {  	_ =	shalt  }
0x64: {  	_ =	shalt  }
0x65: {  	_ =	shalt  }
0x66: {  	_ =	shalt  }
0x67: {  	_ =	shalt  }
0x68: {  	_ =	shalt  }
0x69: {  	_ =	shalt  }
0x6a: {  	_ =	shalt  }
0x6b: {  	_ =	shalt  }
0x6c: {  	_ =	shalt  }
0x6d: {  	_ =	shalt  }
0x6e: {  	_ =	shalt  }
0x6f: {  	_ =	shalt  }
0x70: {  	_ =	shalt  }
0x71: {  	_ =	shalt  }
0x72: {  	_ =	shalt  }
0x73: {  	_ =	shalt  }
0x74: {  	_ =	shalt  }
0x75: {  	_ =	shalt  }
0x76: {  	_ =	shalt  }
0x77: {  	_ =	shalt  }
0x78: {  	_ =	shalt  }
0x79: {  	_ =	shalt  }
0x7a: {  	_ =	shalt  }
0x7b: {  	_ =	shalt  }
0x7c: {  	_ =	shalt  }
0x7d: {  	_ =	shalt  }
0x7e: {  	_ =	shalt  }
0x7f: {  	_ =	shalt  }
0x80: {  	_ =	shalt  }
0x81: {  	_ =	shalt  }
0x82: {  	_ =	shalt  }
0x83: {  	_ =	shalt  }
0x84: {  	_ =	shalt  }
0x85: {  	_ =	shalt  }
0x86: {  	_ =	shalt  }
0x87: {  	_ =	shalt  }
.Lfunc_end0:
.L_simem_size_0:
called_computation_lowered:
.L_overlay_start_0:
0x88: {  	s2 =	sld [smem:$0x3FD9]  }
0x89: {  	s3 =	sld [smem:$0x3FFE];
	_ =	sdelay $0x1  }
0x8a: {  	s1 =	srdreg.scid  }
0x8b: {  	s0 =	sand.u32 $0x1, s1  }
0x8c: {  	s18 =	sshll.u32 s0, $0xA;
	s2 =	sadd.s32 s3, s2  }
0x8d: {  	s2 =	sadd.s32 s2, s18  }
0x8e: {  	[smem:$0x3FC7] =	sst s2  }
0x8f: {  	_ = 	snop  }
0x90: {  	s2 =	sld [smem:$0x3FC9]  }
0x91: {  	s19 =	sld [smem:$0x3FD0];
	(tm) =	ssettm $0x1  }
0x92: {  	s4 =	sld [smem:$0x3FFB];
	_ =	sdelay $0x3  }
0x93: {  	_ =	strace s4  }
0x94: {  	s4 =	sld [smem:$0x3FFC];
	_ =	sdelay $0x3  }
0x95: {  	_ =	strace s4  }
0x96: {  	s4 =	sld [smem:$0x3FFD];
	_ =	sdelay $0x3  }
0x97: {  	_ =	strace s4  }
0x98: {  	_ =	strace $0x8FFFFFFF  }
0x99: {  	s20 =	sld [smem:$0x3FDB];
	_ =	sdelay $0x1  }
0x9a: {  	s5 =	simm.s32 $_scs_section_size  }
0x9b: {  	s6 =	simm.s32 $_size__tile_overlayer_lowered;
	s7 =	simm.s32 $_tile_overlayer_lowered  }
0x9c: {  	s23 =	simm.s32 $0x1BFF;
	s22 =	sshll.u32 s7, $0x1;
	s4 =	sadd.s32 s5, s20  }
0x9d: {  	s8 =	simm.s32 $0x0;
	s21 =	sshll.u32 s6, $0x1;
	s6 =	sadd.s32 s22, s4  }
0x9e: {  	[timem:s8], [sflag:s23] =	dma.local [hbm:s6], s21  }
0x9f: {  	_ =	swait.ge [sflag:s23], s21  }
0xa0: {  	s5 =	ssub.s32 $0x0, s21;
	[sflag:s23] =	ssyncset.done $0x0  }
0xa1: {  	[sflag:s23] =	ssyncadd.s32 s5;
	_ =	sdelay $0x1  }
0xa2: {  	s24 =	simm.s32 $0x1B8B  }
0xa3: {  	_ =	swait.ge [sflag:s24], $0x1  }
0xa4: {  	[sflag:s24] =	ssyncset.done $0x0  }
0xa5: {  	s25 =	simm.s32 $0x1B8E;
	[sflag:s24] =	ssyncadd.s32 $0xFFFFFFFF  }
0xa6: {  	s26 =	simm.s32 $execute0_lowered;
	[smem:$0x3FD2] =	sst s25  }
0xa7: {  	s5 =	sshll.u32 s26, $0x1;
	_ =	strace $0x80000046;
	[dreg:$0x1] =	wrdreg $0xFFFFFFFF  }
0xa8: {  	s28 =	simm.s32 $_size_execute0_lowered;
	s4 =	sadd.s32 s4, s5;
	[dreg:$0x0] =	wrdreg $0x0  }
0xa9: {  	s5 =	sshll.u32 s28, $0x1;
	[dreg:$0x2] =	wrdreg s4  }
0xaa: {  	[dreg:$0x3] =	wrdreg s5  }
0xab: {  	[dreg:$0x4] =	wrdreg $0xC0  }
0xac: {  	_ =	task [dreg:s8], $0x5FFFF  }
0xad: {  	[dreg:$0x1] =	wrdreg $0xFFFFFFFF  }
0xae: {  	[dreg:$0x0] =	wrdreg $0x60  }
0xaf: {  	[dreg:$0x2] =	wrdreg s2  }
0xb0: {  	[dreg:$0x3] =	wrdreg s19  }
0xb1: {  	[dreg:$0x4] =	wrdreg $0x9  }
0xb2: {  	_ =	task.clear_ibuf [dreg:s8], $0x5FFFF;
	_ =	strace $0x90000046  }
0xb3: {  	s29 =	simm.s32 $0x9;
	_ =	strace $0x80000048  }
0xb4: {  	_ =	swait.ge [sflag:s29], $0x1  }
0xb5: {  	[sflag:s29] =	ssyncadd.s32 $0xFFFFFFFF  }
0xb6: {  	_ =	strace $0x90000048  }
0xb7: {  	_ =	sfence  }
0xb8: {  	s30 =	sld [smem:$0x0];
	_ =	sdelay $0x2  }
0xb9: {  	s31 =	sshll.u32 s1, $0xD;
	s1 =	sshrl.u32 s1, $0x2  }
0xba: {  	s3 =	sand.u32 $0x4000, s31;
	s1 =	sadd.s32 s1, s30  }
0xbb: {  	s0 =	sor.u32 s3, s0;
	s1 =	sshll.u32 s1, $0x11  }
0xbc: {  	s0 =	sor.u32 s1, s0  }
0xbd: {  	s0 =	sadd.s32 $0x8F2B, s0  }
0xbe: {  	[sflag:s0] =	ssyncadd.remote.s32 $0x1  }
0xbf: {  	_ =	sfence.sel $0xFFFF  }
0xc0: {  	[dreg:$0x0] =	wrdreg $0xFFFFFFFF;
	(pc) =	sbr.abs _section_cstart, $3  }
0xc1: {  	[dreg:$0x1] =	wrdreg $0xFFFFFFFF  }
0xc2: {  	_ =	task.clear_ibuf [dreg:s8], $0x2FFFF;
	_ =	strace $0x9FFFFFFF  }
0xc3: {  	(tm) =	ssettm $0x7FFFFFFF  }
tec
execute0_lowered:
.L_overlay_start_1:
0x0: {  	(tag) =	ssettag $0x1  }
0x1: {  	s2 =	rddreg [dreg:$0x0];
	s0 =	srdreg.scid  }
0x2: {  	s3 =	rddreg [dreg:$0x1];
	s1 =	stileid.u32;
	s4 =	simm.s32 $0x0  }
0x3: {  	s9 =	simm.s32 $0x1000;
	s10 =	simm.s32 $0xD000;
	s11 =	simm.s32 $0x3  }
0x4: {  	s12 =	simm.s32 $0x800;
	s13 =	simm.s32 $0x4000;
	s14 =	simm.s32 $0x1000000  }
0x5: {  	s15 =	simm.s32 $0x4;
	s16 =	simm.s32 $0x1;
	s17 =	simm.s32 $0x2  }
0x6: {  	s18 =	simm.s32 $0x0;
	s5 =	sand.u32 $0x1, s0;
	s0 =	rddreg [dreg:$0x2]  }
0x7: {  	s6 =	sshll.u32 s1, $0x11;
	s7 =	sshll.u32 s5, $0x10;
	s8 =	ssub.s32 $0x2, s5  }
0x8: {  	[smem:$0x7FF] =	sst s4;
	s5 =	sor.u32 s7, s6;
	s31 =	sshrl.u32 s8, $0x1  }
0x9: {  	v0 =	vlaneseq.u32;
	v3 =	vimm.f32 $1.000000000e+00;
	_ =	strace $0x80000047;
	s7 =	sshrl.u32 s5, $0x3;
	s8 =	ssub.s32 s8, s31  }
0xa: {  	v1 =	vimm.f32 $0.0e+00;
	v2 =	vimm.s32 $0x13;
	v3 =	vand.u32 $0x7FFFFFFF, v3;
	s6 =	sadd.s32 s2, s7;
	s7 =	sadd.s32 $0x100, s2;
	s8 =	smax.u32 s8, $0x1  }
.LBB2_1:
0xb: {  	v4 =	vmov s4  }
0xc: {  	v5 =	vor.u32 s4, v0;
	v4 =	vshll.u32 v4, $0x3  }
0xd: {  	v5 =	vand.u32 $0x7F, v5;
	v6 =	vand.u32 $0x3C00, v4  }
0xe: {  	v6 =	vor.u32 v5, v6;
	_ =	sdelay $0x1  }
0xf: {  	v7 =	vor.u32 $0x80, v6;
	_ =	sdelay $0x1  }
0x10: {  	v8 =	vor.u32 $0x100, v6  }
0x11: {  	[tilespmem:v6+s9+$0x0] =	vst.idx.msk $0xffff, v1  }
0x12: {  	v9 =	vor.u32 $0x180, v6;
	[tilespmem:v6+s10+$0x0] =	vst.idx.msk $0xffff, v1  }
0x13: {  	[tilespmem:v7+s9+$0x0] =	vst.idx.msk $0xffff, v1  }
0x14: {  	[tilespmem:v7+s10+$0x0] =	vst.idx.msk $0xffff, v1;
	v7 =	vor.u32 $0x200, v6  }
0x15: {  	[tilespmem:v8+s9+$0x0] =	vst.idx.msk $0xffff, v1  }
0x16: {  	[tilespmem:v8+s10+$0x0] =	vst.idx.msk $0xffff, v1;
	v8 =	vor.u32 $0x280, v6  }
0x17: {  	[tilespmem:v9+s9+$0x0] =	vst.idx.msk $0xffff, v1  }
0x18: {  	v61 =	vor.u32 $0x300, v6;
	[tilespmem:v9+s10+$0x0] =	vst.idx.msk $0xffff, v1  }
0x19: {  	v4 =	vor.u32 v4, v5;
	[tilespmem:v7+s9+$0x0] =	vst.idx.msk $0xffff, v1  }
0x1a: {  	v5 =	vor.u32 $0x380, v4;
	[tilespmem:v7+s10+$0x0] =	vst.idx.msk $0xffff, v1  }
0x1b: {  	[tilespmem:v8+s9+$0x0] =	vst.idx.msk $0xffff, v1  }
0x1c: {  	v7 =	vor.u32 $0x4000, v6;
	[tilespmem:v8+s10+$0x0] =	vst.idx.msk $0xffff, v1  }
0x1d: {  	[tilespmem:v61+s9+$0x0] =	vst.idx.msk $0xffff, v1  }
0x1e: {  	v8 =	vor.u32 $0x4080, v6;
	[tilespmem:v61+s10+$0x0] =	vst.idx.msk $0xffff, v1  }
0x1f: {  	[tilespmem:v5+s9+$0x0] =	vst.idx.msk $0xffff, v1  }
0x20: {  	[tilespmem:v5+s10+$0x0] =	vst.idx.msk $0xffff, v1;
	v5 =	vor.u32 $0x4100, v6  }
0x21: {  	[tilespmem:v7+s9+$0x0] =	vst.idx.msk $0xffff, v1  }
0x22: {  	[tilespmem:v7+s10+$0x0] =	vst.idx.msk $0xffff, v1;
	v7 =	vor.u32 $0x4180, v6  }
0x23: {  	[tilespmem:v8+s9+$0x0] =	vst.idx.msk $0xffff, v1  }
0x24: {  	[tilespmem:v8+s10+$0x0] =	vst.idx.msk $0xffff, v1;
	v8 =	vor.u32 $0x4200, v6  }
0x25: {  	[tilespmem:v5+s9+$0x0] =	vst.idx.msk $0xffff, v1  }
0x26: {  	[tilespmem:v5+s10+$0x0] =	vst.idx.msk $0xffff, v1;
	v5 =	vor.u32 $0x4280, v6  }
0x27: {  	[tilespmem:v7+s9+$0x0] =	vst.idx.msk $0xffff, v1  }
0x28: {  	[tilespmem:v7+s10+$0x0] =	vst.idx.msk $0xffff, v1;
	v7 =	vor.u32 $0x4300, v6  }
0x29: {  	[tilespmem:v8+s9+$0x0] =	vst.idx.msk $0xffff, v1  }
0x2a: {  	v4 =	vor.u32 $0x4380, v4;
	[tilespmem:v8+s10+$0x0] =	vst.idx.msk $0xffff, v1  }
0x2b: {  	[tilespmem:v5+s9+$0x0] =	vst.idx.msk $0xffff, v1  }
0x2c: {  	[tilespmem:v5+s10+$0x0] =	vst.idx.msk $0xffff, v1;
	v5 =	vor.u32 $0x8000, v6  }
0x2d: {  	[tilespmem:v7+s9+$0x0] =	vst.idx.msk $0xffff, v1  }
0x2e: {  	[tilespmem:v7+s10+$0x0] =	vst.idx.msk $0xffff, v1;
	v7 =	vor.u32 $0x8080, v6  }
0x2f: {  	[tilespmem:v4+s9+$0x0] =	vst.idx.msk $0xffff, v1  }
0x30: {  	s19 =	simm.s32 $0x10;
	[tilespmem:v4+s10+$0x0] =	vst.idx.msk $0xffff, v1;
	v4 =	vor.u32 $0x8100, v6  }
0x31: {  	v6 =	vmov s19;
	[tilespmem:v5+s9+$0x0] =	vst.idx.msk $0xffff, v1  }
0x32: {  	v8 =	vor.u32 s19, v0;
	v6 =	vshll.u32 v6, $0x3;
	[tilespmem:v5+s10+$0x0] =	vst.idx.msk $0xffff, v1  }
0x33: {  	v5 =	vand.u32 $0x7F, v8;
	v8 =	vand.u32 $0x3C00, v6;
	[tilespmem:v7+s9+$0x0] =	vst.idx.msk $0xffff, v1  }
0x34: {  	v8 =	vor.u32 v5, v8;
	[tilespmem:v7+s10+$0x0] =	vst.idx.msk $0xffff, v1  }
0x35: {  	[tilespmem:v4+s9+$0x0] =	vst.idx.msk $0xffff, v1  }
0x36: {  	s19 =	simm.s32 $0x19000;
	v7 =	vor.u32 $0x80, v8;
	[tilespmem:v4+s10+$0x0] =	vst.idx.msk $0xffff, v1  }
0x37: {  	s20 =	simm.s32 $0x19800;
	[tilespmem:s19+$0x0] =	vst v2  }
0x38: {  	v4 =	vor.u32 $0x100, v8;
	[tilespmem:s20+$0x0] =	vst v2  }
0x39: {  	[tilespmem:v8+s9+$0x0] =	vst.idx.msk $0xffff, v1  }
0x3a: {  	v62 =	vor.u32 $0x180, v8;
	[tilespmem:v8+s10+$0x0] =	vst.idx.msk $0xffff, v1  }
0x3b: {  	[tilespmem:v7+s9+$0x0] =	vst.idx.msk $0xffff, v1  }
0x3c: {  	[tilespmem:v7+s10+$0x0] =	vst.idx.msk $0xffff, v1;
	v7 =	vor.u32 $0x200, v8  }
0x3d: {  	[tilespmem:v4+s9+$0x0] =	vst.idx.msk $0xffff, v1  }
0x3e: {  	[tilespmem:v4+s10+$0x0] =	vst.idx.msk $0xffff, v1;
	v4 =	vor.u32 $0x280, v8  }
0x3f: {  	[tilespmem:v62+s9+$0x0] =	vst.idx.msk $0xffff, v1  }
0x40: {  	v63 =	vor.u32 $0x300, v8;
	[tilespmem:v62+s10+$0x0] =	vst.idx.msk $0xffff, v1  }
0x41: {  	v5 =	vor.u32 v6, v5;
	[tilespmem:v7+s9+$0x0] =	vst.idx.msk $0xffff, v1  }
0x42: {  	v6 =	vor.u32 $0x380, v5;
	[tilespmem:v7+s10+$0x0] =	vst.idx.msk $0xffff, v1  }
0x43: {  	[tilespmem:v4+s9+$0x0] =	vst.idx.msk $0xffff, v1  }
0x44: {  	[tilespmem:v4+s10+$0x0] =	vst.idx.msk $0xffff, v1;
	v4 =	vor.u32 $0x4000, v8  }
0x45: {  	[tilespmem:v63+s9+$0x0] =	vst.idx.msk $0xffff, v1  }
0x46: {  	v7 =	vor.u32 $0x4080, v8;
	[tilespmem:v63+s10+$0x0] =	vst.idx.msk $0xffff, v1  }
0x47: {  	[tilespmem:v6+s9+$0x0] =	vst.idx.msk $0xffff, v1  }
0x48: {  	[tilespmem:v6+s10+$0x0] =	vst.idx.msk $0xffff, v1;
	v6 =	vor.u32 $0x4100, v8  }
0x49: {  	[tilespmem:v4+s9+$0x0] =	vst.idx.msk $0xffff, v1  }
0x4a: {  	[tilespmem:v4+s10+$0x0] =	vst.idx.msk $0xffff, v1;
	v4 =	vor.u32 $0x4180, v8  }
0x4b: {  	[tilespmem:v7+s9+$0x0] =	vst.idx.msk $0xffff, v1  }
0x4c: {  	[tilespmem:v7+s10+$0x0] =	vst.idx.msk $0xffff, v1;
	v7 =	vor.u32 $0x4200, v8  }
0x4d: {  	[tilespmem:v6+s9+$0x0] =	vst.idx.msk $0xffff, v1  }
0x4e: {  	[tilespmem:v6+s10+$0x0] =	vst.idx.msk $0xffff, v1;
	v6 =	vor.u32 $0x4280, v8  }
0x4f: {  	[tilespmem:v4+s9+$0x0] =	vst.idx.msk $0xffff, v1  }
0x50: {  	[tilespmem:v4+s10+$0x0] =	vst.idx.msk $0xffff, v1;
	v4 =	vor.u32 $0x4300, v8  }
0x51: {  	[tilespmem:v7+s9+$0x0] =	vst.idx.msk $0xffff, v1  }
0x52: {  	[tilespmem:v7+s10+$0x0] =	vst.idx.msk $0xffff, v1;
	v7 =	vor.u32 $0x4380, v5  }
0x53: {  	[tilespmem:v6+s9+$0x0] =	vst.idx.msk $0xffff, v1  }
0x54: {  	[tilespmem:v6+s10+$0x0] =	vst.idx.msk $0xffff, v1  }
0x55: {  	v6 =	vor.u32 $0x8000, v8;
	[tilespmem:v4+s9+$0x0] =	vst.idx.msk $0xffff, v1  }
0x56: {  	[tilespmem:v4+s10+$0x0] =	vst.idx.msk $0xffff, v1  }
0x57: {  	v5 =	vor.u32 $0x8080, v8;
	[tilespmem:v7+s9+$0x0] =	vst.idx.msk $0xffff, v1  }
0x58: {  	s22 =	simm.s32 $0x20;
	v4 =	vor.u32 $0x8100, v8;
	[tilespmem:v7+s10+$0x0] =	vst.idx.msk $0xffff, v1  }
.LBB2_2:
0x59: {  	s19 =	sadd.s32 $0x10, s19  }
0x5a: {  	v7 =	vmov s22;
	[tilespmem:v6+s9+$0x0] =	vst.idx.msk $0xffff, v1;
	s20 =	sadd.s32 $0x10, s20;
	s23 =	smov.u32 s22;
	s21 =	sadd.s32 $0x10, s22  }
0x5b: {  	p0 =	sne.s32 s22, $0x7F0;
	v8 =	vor.u32 s23, v0;
	v7 =	vshll.u32 v7, $0x3;
	[tilespmem:v6+s10+$0x0] =	vst.idx.msk $0xffff, v1  }
0x5c: {  	v6 =	vand.u32 $0x7F, v8;
	v8 =	vand.u32 $0x3C00, v7;
	[tilespmem:v5+s9+$0x0] =	vst.idx.msk $0xffff, v1  }
0x5d: {  	v8 =	vor.u32 v6, v8;
	v6 =	vor.u32 v7, v6;
	[tilespmem:v5+s10+$0x0] =	vst.idx.msk $0xffff, v1  }
0x5e: {  	[tilespmem:v4+s9+$0x0] =	vst.idx.msk $0xffff, v1  }
0x5f: {  	v5 =	vor.u32 $0x80, v8;
	[tilespmem:v4+s10+$0x0] =	vst.idx.msk $0xffff, v1  }
0x60: {  	[tilespmem:s19+$0x0] =	vst v2  }
0x61: {  	v4 =	vor.u32 $0x100, v8;
	[tilespmem:s20+$0x0] =	vst v2  }
0x62: {  	[tilespmem:v8+s9+$0x0] =	vst.idx.msk $0xffff, v1  }
0x63: {  	v7 =	vor.u32 $0x180, v8;
	[tilespmem:v8+s10+$0x0] =	vst.idx.msk $0xffff, v1  }
0x64: {  	[tilespmem:v5+s9+$0x0] =	vst.idx.msk $0xffff, v1  }
0x65: {  	[tilespmem:v5+s10+$0x0] =	vst.idx.msk $0xffff, v1;
	v5 =	vor.u32 $0x200, v8  }
0x66: {  	[tilespmem:v4+s9+$0x0] =	vst.idx.msk $0xffff, v1  }
0x67: {  	[tilespmem:v4+s10+$0x0] =	vst.idx.msk $0xffff, v1;
	v4 =	vor.u32 $0x280, v8  }
0x68: {  	[tilespmem:v7+s9+$0x0] =	vst.idx.msk $0xffff, v1  }
0x69: {  	[tilespmem:v7+s10+$0x0] =	vst.idx.msk $0xffff, v1;
	v7 =	vor.u32 $0x300, v8  }
0x6a: {  	[tilespmem:v5+s9+$0x0] =	vst.idx.msk $0xffff, v1  }
0x6b: {  	[tilespmem:v5+s10+$0x0] =	vst.idx.msk $0xffff, v1;
	v5 =	vor.u32 $0x380, v6  }
0x6c: {  	[tilespmem:v4+s9+$0x0] =	vst.idx.msk $0xffff, v1  }
0x6d: {  	[tilespmem:v4+s10+$0x0] =	vst.idx.msk $0xffff, v1;
	v4 =	vor.u32 $0x4000, v8  }
0x6e: {  	[tilespmem:v7+s9+$0x0] =	vst.idx.msk $0xffff, v1  }
0x6f: {  	[tilespmem:v7+s10+$0x0] =	vst.idx.msk $0xffff, v1;
	v7 =	vor.u32 $0x4080, v8  }
0x70: {  	[tilespmem:v5+s9+$0x0] =	vst.idx.msk $0xffff, v1  }
0x71: {  	[tilespmem:v5+s10+$0x0] =	vst.idx.msk $0xffff, v1;
	v5 =	vor.u32 $0x4100, v8  }
0x72: {  	[tilespmem:v4+s9+$0x0] =	vst.idx.msk $0xffff, v1  }
0x73: {  	[tilespmem:v4+s10+$0x0] =	vst.idx.msk $0xffff, v1;
	v4 =	vor.u32 $0x4180, v8  }
0x74: {  	[tilespmem:v7+s9+$0x0] =	vst.idx.msk $0xffff, v1  }
0x75: {  	[tilespmem:v7+s10+$0x0] =	vst.idx.msk $0xffff, v1;
	v7 =	vor.u32 $0x4200, v8  }
0x76: {  	[tilespmem:v5+s9+$0x0] =	vst.idx.msk $0xffff, v1  }
0x77: {  	[tilespmem:v5+s10+$0x0] =	vst.idx.msk $0xffff, v1;
	v5 =	vor.u32 $0x4280, v8  }
0x78: {  	[tilespmem:v4+s9+$0x0] =	vst.idx.msk $0xffff, v1  }
0x79: {  	[tilespmem:v4+s10+$0x0] =	vst.idx.msk $0xffff, v1;
	v4 =	vor.u32 $0x4300, v8  }
0x7a: {  	[tilespmem:v7+s9+$0x0] =	vst.idx.msk $0xffff, v1  }
0x7b: {  	[tilespmem:v7+s10+$0x0] =	vst.idx.msk $0xffff, v1;
	v7 =	vor.u32 $0x4380, v6  }
0x7c: {  	[tilespmem:v5+s9+$0x0] =	vst.idx.msk $0xffff, v1  }
.Ltmp0:
0x7d: {  	v6 =	vor.u32 $0x8000, v8;
	[tilespmem:v5+s10+$0x0] =	vst.idx.msk $0xffff, v1;
	(pc) =	sbr.rel @p0 .LBB2_2-.Ltmp0, $4  }
0x7e: {  	[tilespmem:v4+s9+$0x0] =	vst.idx.msk $0xffff, v1  }
0x7f: {  	v5 =	vor.u32 $0x8080, v8;
	[tilespmem:v4+s10+$0x0] =	vst.idx.msk $0xffff, v1  }
0x80: {  	[tilespmem:v7+s9+$0x0] =	vst.idx.msk $0xffff, v1  }
0x81: {  	s22 =	smov.u32 s21;
	v4 =	vor.u32 $0x8100, v8;
	[tilespmem:v7+s10+$0x0] =	vst.idx.msk $0xffff, v1  }
0x82: {  	_ =	sdelay $0x3  }
0x83: {  	[tilespmem:v6+s9+$0x0] =	vst.idx.msk $0xffff, v1  }
0x84: {  	[tilespmem:v6+s10+$0x0] =	vst.idx.msk $0xffff, v1  }
0x85: {  	[tilespmem:v5+s9+$0x0] =	vst.idx.msk $0xffff, v1  }
0x86: {  	[tilespmem:v5+s10+$0x0] =	vst.idx.msk $0xffff, v1  }
0x87: {  	[tilespmem:v4+s9+$0x0] =	vst.idx.msk $0xffff, v1  }
0x88: {  	s19 =	sadd.s32 $0x10, s19;
	[tilespmem:v4+s10+$0x0] =	vst.idx.msk $0xffff, v1  }
0x89: {  	s20 =	sadd.s32 $0x10, s20;
	[tilespmem:s19+$0x0] =	vst v2  }
0x8a: {  	s19 =	simm.s32 $0x0;
	[tilespmem:s20+$0x0] =	vst v2;
	s20 =	simm.s32 $0x0  }
0x8b: {  	[tilespmem:s19], [sflag:$0x3] =	stream.linear.gather [hbm4b:s6+s19], $0x800, $0x38;
	[tilespmem:$0x1A000] =	vst v63  }
.LBB2_4:
0x8c: {  	p0 =	seq.s32 s20, $0x0  }
0x8d: {  	s21 =	simm.s32 @!p0 $0x1  }
0x8e: {  	_ =	swait.ge @!p0 [sflag:s21], $0xC000  }
0x8f: {  	[sflag:s21] =	ssyncset.done @!p0 $0x0  }
0x90: {  	s22 =	sshll.u32 s20, $0xC;
	[sflag:s21] =	ssyncadd.s32 @!p0 $0xFFFF4000  }
0x91: {  	s21 =	sor.u32 s5, s22;
	_ =	swait.ge [sflag:s11], $0x800  }
0x92: {  	s22 =	sshrl.u32 s21, $0x3;
	[sflag:s11] =	ssyncset.done $0x0  }
0x93: {  	s22 =	sadd.s32 s22, s7;
	[sflag:s11] =	ssyncadd.s32 $0xFFFFF800  }
0x94: {  	[tilespmem:s12], [sflag:$0x4] =	stream.linear.gather [hbm4b:s22+s19], $0x800, $0x38;
	[tilespmem:$0x1A000] =	vst v63  }
0x95: {  	s22 =	simm.s32 $0x19020  }
0x96: {  	s23 =	simm.s32 $0x10;
	v8 =	vld [tilespmem:s22+$0xFFFFFFE0]  }
0x97: {  	s24 =	simm.s32 $0x20;
	v12 =	vmov s19;
	v4 =	vmov s23;
	v9 =	vld [tilespmem:s22+$0x0]  }
0x98: {  	s30 =	simm.s32 $0x30;
	v5 =	vmov s24;
	v6 =	vor.u32 s24, v0;
	v7 =	vor.u32 s23, v0;
	v10 =	vld [tilespmem:s22+$0xFFFFFFF0]  }
0x99: {  	v13 =	vmov s30;
	v15 =	vor.u32 s30, v0;
	v23 =	vshll.u32 v12, $0x3  }
0x9a: {  	v4 =	vshll.u32 v4, $0x3;
	v11 =	vshll.u32 v5, $0x3;
	v13 =	vshll.u32 v13, $0x3  }
0x9b: {  	v6 =	vand.u32 $0x6F, v6;
	v5 =	vand.u32 $0x3C00, v4;
	v4 =	vand.u32 $0x5F, v7  }
0x9c: {  	v7 =	vand.u32 $0x3C00, v11;
	v11 =	vshll.u32 v8, $0xB;
	v14 =	vshll.u32 v8, $0x7  }
0x9d: {  	v16 =	vshll.u32 v10, $0xB;
	v17 =	vshll.u32 v10, $0x7;
	v18 =	vshll.u32 v9, $0xB  }
0x9e: {  	vm0 =	vlt.s32 v9, $0x13;
	v19 =	vadd.s32 $0x1, v9;
	v20 =	vadd.s32 $0x1, v10  }
0x9f: {  	v9 =	vshll.u32 v9, $0x7;
	vm1 =	vlt.s32 v10, $0x13;
	v10 =	vor.u32 s19, v0  }
0xa0: {  	v24 =	vadd.s32 $0x1, v8;
	vm2 =	vlt.s32 v8, $0x13;
	v11 =	vand.u32 $0xFFFFC000, v11  }
0xa1: {  	v17 =	vand.u32 $0x380, v17;
	v21 =	vshll.u32 v20, $0xB;
	v18 =	vand.u32 $0xFFFFC000, v18  }
0xa2: {  	v22 =	vshll.u32 v19, $0xB;
	v12 =	vand.u32 $0x4F, v10;
	v10 =	vand.u32 $0x3C00, v23  }
0xa3: {  	v14 =	vand.u32 $0x380, v14;
	v31 =	vshll.u32 v24, $0xB;
	v25 =	vshll.u32 v24, $0x7  }
0xa4: {  	v11 =	vor.u32 v11, v14;
	v14 =	vand.u32 $0xFFFFC000, v31;
	v32 =	vand.u32 $0x380, v25  }
0xa5: {  	v9 =	vand.u32 $0x380, v9;
	v8 =	vor.u32 v10, v11;
	v11 =	vor.u32 v14, v32  }
0xa6: {  	vm3 =	vlt.s32 v24, $0x13;
	v8 =	vor.u32 v12, v8;
	v11 =	vor.u32 v10, v11  }
0xa7: {  	v16 =	vand.u32 $0xFFFFC000, v16;
	v22 =	vand.u32 $0xFFFFC000, v22;
	v11 =	vor.u32 v12, v11  }
0xa8: {  	v9 =	vor.u32 v18, v9;
	v16 =	vor.u32 v16, v17;
	v14 =	vshll.u32 v19, $0x7  }
0xa9: {  	v18 =	vld [tilespmem:s22+$0x10];
	v17 =	vshll.u32 v20, $0x7;
	v16 =	vor.u32 v5, v16;
	v14 =	vand.u32 $0x380, v14  }
0xaa: {  	v21 =	vand.u32 $0xFFFFC000, v21;
	v16 =	vor.u32 v4, v16;
	v14 =	vor.u32 v22, v14  }
0xab: {  	v17 =	vand.u32 $0x380, v17;
	v9 =	vor.u32 v7, v9;
	v14 =	vor.u32 v7, v14;
	[tilespmem:v8+s9+$0x0] =	vst.idx.msk vm2, v1  }
0xac: {  	s31 =	simm.s32 $0x20;
	vm2 =	vlt.s32 v19, $0x13;
	v8 =	vor.u32 v21, v17;
	v17 =	vor.u32 v6, v9;
	[tilespmem:v11+s9+$0x0] =	vst.idx.msk vm3, v1  }
0xad: {  	vm3 =	vlt.s32 v20, $0x13;
	v11 =	vor.u32 v6, v14;
	v8 =	vor.u32 v5, v8;
	v14 =	vld [tilespmem:s31+$0xFFFFFFE0]  }
0xae: {  	v9 =	vshll.u32 v18, $0xB;
	v19 =	vshll.u32 v18, $0x7;
	v20 =	vor.u32 v4, v8  }
0xaf: {  	[tilespmem:v16+s9+$0x0] =	vst.idx.msk vm1, v1;
	v16 =	vadd.s32 $0x1, v18;
	vm1 =	vlt.s32 v18, $0x13;
	v19 =	vand.u32 $0x380, v19  }
0xb0: {  	v8 =	vand.u32 $0x7F, v15;
	v15 =	vand.u32 $0xFFFFC000, v9;
	v9 =	vand.u32 $0x3C00, v13  }
0xb1: {  	v13 =	vor.u32 v15, v19;
	v15 =	vshll.u32 v16, $0xB;
	v19 =	vshll.u32 v16, $0x7;
	[tilespmem:v17+s9+$0x0] =	vst.idx.msk vm0, v1  }
0xb2: {  	v15 =	vand.u32 $0xFFFFC000, v15;
	v17 =	vand.u32 $0x380, v19;
	[tilespmem:v11+s9+$0x0] =	vst.idx.msk vm2, v1;
	v11 =	vand.u32 $0x7FFFFFFF, v14  }
0xb3: {  	v13 =	vor.u32 v9, v13;
	v15 =	vor.u32 v15, v17;
	v17 =	vld [tilespmem:s31+$0x0];
	[tilespmem:v20+s9+$0x0] =	vst.idx.msk vm3, v1;
	v11 =	vadd.f32 $1.000000000e+00, v11  }
0xb4: {  	v13 =	vor.u32 v8, v13;
	vm2 =	vlt.s32 v16, $0x13;
	v16 =	vld [tilespmem:s31+$0xFFFFFFF0]  }
0xb5: {  	v15 =	vor.u32 v9, v15;
	v18 =	vshra.s32 v11, $0x1;
	v19 =	vmul.f32 $5.000000000e-01, v11  }
0xb6: {  	v15 =	vor.u32 v8, v15;
	v18 =	vsub.s32 $0x5F3759DF, v18  }
0xb7: {  	vm0 =	vgt.f32 v14, $0.0e+00;
	vm3 =	vlt.f32 v14, $0.0e+00;
	v20 =	vmul.f32 v18, v19  }
0xb8: {  	v42 =	vmul.f32 $1.000000050e-03, v14;
	v31 =	vand.u32 $0x80000000, v14;
	v34 =	vand.u32 $0x7FFFFFFF, v17  }
0xb9: {  	[tilespmem:v13+s9+$0x0] =	vst.idx.msk vm1, v1;
	v35 =	vand.u32 $0x7FFFFFFF, v16;
	v13 =	vadd.f32 $1.000000000e+00, v34;
	v20 =	vmul.f32 v18, v20  }
0xba: {  	vm0 =	vmor vm0, vm3;
	v43 =	vor.u32 v31, v3;
	v36 =	vadd.f32 $1.000000000e+00, v35  }
0xbb: {  	[tilespmem:v15+s9+$0x0] =	vst.idx.msk vm2, v1;
	v38 =	vshra.s32 v13, $0x1;
	v39 =	vmul.f32 $5.000000000e-01, v13;
	v20 =	vsub.f32 $1.500000000e+00, v20  }
0xbc: {  	v37 =	vld [tilespmem:s31+$0x10];
	v26 =	vshra.s32 v36, $0x1;
	v27 =	vmul.f32 $5.000000000e-01, v36;
	v24 =	vsub.s32 $0x5F3759DF, v38  }
0xbd: {  	v26 =	vsub.s32 $0x5F3759DF, v26;
	v28 =	vmul.f32 v24, v39;
	v18 =	vmul.f32 v18, v20  }
0xbe: {  	v14 =	vsel vm0, v43, v14;
	v33 =	vand.u32 $0x80000000, v17;
	v20 =	vmul.f32 v26, v27  }
0xbf: {  	vm1 =	vgt.f32 v17, $0.0e+00;
	v28 =	vmul.f32 v24, v28;
	v19 =	vmul.f32 v18, v19  }
0xc0: {  	v21 =	vor.u32 v33, v3;
	v15 =	vand.u32 $0x80000000, v16;
	v20 =	vmul.f32 v26, v20  }
0xc1: {  	v29 =	vand.u32 $0x7FFFFFFF, v37;
	v28 =	vsub.f32 $1.500000000e+00, v28;
	v19 =	vmul.f32 v19, v18  }
0xc2: {  	vm2 =	vlt.f32 v17, $0.0e+00;
	v29 =	vadd.f32 $1.000000000e+00, v29;
	v20 =	vsub.f32 $1.500000000e+00, v20  }
0xc3: {  	v44 =	vmul.f32 $1.000000050e-03, v16;
	v24 =	vmul.f32 v24, v28;
	v19 =	vsub.f32 $1.500000000e+00, v19  }
0xc4: {  	v40 =	vshra.s32 v29, $0x1;
	v30 =	vmul.f32 $5.000000000e-01, v29;
	v20 =	vmul.f32 v26, v20  }
0xc5: {  	v41 =	vsub.s32 $0x5F3759DF, v40;
	v25 =	vmul.f32 v24, v39;
	v18 =	vmul.f32 v19, v18  }
0xc6: {  	vm1 =	vmor vm1, vm2;
	v28 =	vmul.f32 v41, v30;
	v27 =	vmul.f32 v20, v27  }
0xc7: {  	v19 =	vand.u32 $0x80000000, v37;
	v25 =	vmul.f32 v25, v24;
	v11 =	vmul.f32 v18, v11  }
0xc8: {  	v18 =	vor.u32 v19, v3;
	v19 =	vmul.f32 v41, v28;
	v27 =	vmul.f32 v27, v20  }
0xc9: {  	vm2 =	vgt.f32 v16, $0.0e+00;
	v25 =	vsub.f32 $1.500000000e+00, v25;
	v11 =	vadd.f32 $-1.000000000e+00, v11  }
0xca: {  	v21 =	vsel vm1, v21, v17;
	v19 =	vsub.f32 $1.500000000e+00, v19;
	v27 =	vsub.f32 $1.500000000e+00, v27  }
0xcb: {  	v17 =	vmul.f32 $1.000000050e-03, v17;
	v24 =	vmul.f32 v25, v24;
	v11 =	vadd.f32 v11, v42  }
0xcc: {  	v15 =	vor.u32 v15, v3;
	v19 =	vmul.f32 v41, v19;
	v20 =	vmul.f32 v27, v20  }
0xcd: {  	vm1 =	vlt.f32 v16, $0.0e+00;
	v13 =	vmul.f32 v24, v13;
	v11 =	vmul.f32 v11, v14  }
0xce: {  	vm1 =	vmor vm2, vm1;
	vm2 =	vlt.f32 v37, $0.0e+00;
	v14 =	vmul.f32 v19, v30  }
0xcf: {  	v20 =	vmul.f32 v20, v36;
	v13 =	vadd.f32 $-1.000000000e+00, v13;
	v11 =	vmax.f32 v11, $0.0e+00  }
0xd0: {  	vm0 =	vgt.f32 v37, $0.0e+00;
	v14 =	vmul.f32 v14, v19;
	v11 =	vmin.f32 v11, $1.900000000e+01  }
0xd1: {  	v20 =	vadd.f32 $-1.000000000e+00, v20;
	v13 =	vadd.f32 v13, v17;
	v17 =	vtrunc.f32 v11  }
0xd2: {  	vm0 =	vmor vm0, vm2;
	v14 =	vsub.f32 $1.500000000e+00, v14;
	v45 =	vcvt.f32.s32 v17  }
0xd3: {  	v15 =	vsel vm1, v15, v16;
	v18 =	vsel vm0, v18, v37;
	v17 =	vadd.f32 v20, v44  }
0xd4: {  	v13 =	vmul.f32 v13, v21;
	v14 =	vmul.f32 v14, v19;
	v16 =	vshll.u32 v45, $0xB  }
0xd5: {  	v20 =	vshll.u32 v45, $0x7;
	v15 =	vmul.f32 v17, v15;
	v17 =	vadd.s32 $0x1, v45  }
0xd6: {  	v13 =	vmax.f32 v13, $0.0e+00;
	v16 =	vand.u32 $0xFFFFC000, v16;
	v19 =	vand.u32 $0x380, v20  }
0xd7: {  	vm1 =	vlt.s32 v45, $0x13;
	v14 =	vmul.f32 v14, v29;
	v16 =	vor.u32 v16, v19  }
0xd8: {  	v46 =	vmin.f32 v13, $1.900000000e+01;
	v19 =	vcvt.s32.f32 v45;
	v16 =	vor.u32 v10, v16  }
0xd9: {  	vm2 =	vlt.s32 v17, $0x13;
	v13 =	vmax.f32 v15, $0.0e+00;
	v20 =	vor.u32 v12, v16  }
0xda: {  	v16 =	vshll.u32 v17, $0x7;
	v19 =	vsub.f32 v11, v19;
	v11 =	vshll.u32 v17, $0xB  }
0xdb: {  	v13 =	vmin.f32 v13, $1.900000000e+01;
	v11 =	vand.u32 $0xFFFFC000, v11;
	v15 =	vand.u32 $0x380, v16  }
0xdc: {  	v16 =	vtrunc.f32 v46;
	v11 =	vor.u32 v11, v15;
	v15 =	vtrunc.f32 v13  }
0xdd: {  	v48 =	vor.u32 v10, v11;
	v10 =	vcvt.f32.s32 v15;
	v11 =	vcvt.f32.s32 v16  }
0xde: {  	v14 =	vadd.f32 $-1.000000000e+00, v14;
	v47 =	vsub.f32 $1.000000000e+00, v19;
	v25 =	vor.u32 v12, v48  }
0xdf: {  	v12 =	vmul.f32 $1.000000050e-03, v37;
	vm0 =	vlt.s32 v10, $0x13;
	v15 =	vshll.u32 v11, $0xB  }
0xe0: {  	v16 =	vshll.u32 v11, $0x7;
	v49 =	vadd.s32 $0x1, v10;
	v50 =	vadd.s32 $0x1, v11  }
0xe1: {  	v52 =	vshll.u32 v10, $0xB;
	v54 =	vshll.u32 v10, $0x7;
	v57 =	vcvt.s32.f32 v11  }
0xe2: {  	v12 =	vadd.f32 v14, v12;
	v51 =	vand.u32 $0xFFFFC000, v15;
	v15 =	vshll.u32 v50, $0xB  }
0xe3: {  	v14 =	vshll.u32 v49, $0x7;
	v55 =	vshll.u32 v49, $0xB;
	v53 =	vand.u32 $0xFFFFC000, v15  }
0xe4: {  	v15 =	vshll.u32 v50, $0x7;
	v14 =	vand.u32 $0x380, v14;
	v12 =	vmul.f32 v12, v18  }
0xe5: {  	v18 =	vcvt.s32.f32 v10;
	v32 =	vand.u32 $0x380, v15;
	v15 =	vand.u32 $0xFFFFC000, v55  }
0xe6: {  	v15 =	vor.u32 v15, v14;
	v14 =	vand.u32 $0xFFFFC000, v52;
	v56 =	vmax.f32 v12, $0.0e+00  }
0xe7: {  	v12 =	vsub.f32 v13, v18;
	v13 =	vand.u32 $0x380, v16;
	v16 =	vand.u32 $0x380, v54  }
0xe8: {  	v18 =	vmin.f32 v56, $1.900000000e+01;
	v13 =	vor.u32 v51, v13;
	v14 =	vor.u32 v14, v16  }
0xe9: {  	v17 =	vtrunc.f32 v18;
	v59 =	vor.u32 v5, v14;
	v14 =	vsub.f32 v46, v57  }
0xea: {  	vm3 =	vlt.s32 v11, $0x13;
	[tilespmem:v20+s9+$0x0] =	vst.idx.msk vm1, v47;
	v58 =	vor.u32 v7, v13;
	v13 =	vcvt.f32.s32 v17  }
0xeb: {  	vm1 =	vlt.s32 v49, $0x13;
	[tilespmem:v25+s9+$0x0] =	vst.idx.msk vm2, v19;
	v28 =	vor.u32 v6, v58;
	v19 =	vsub.f32 $1.000000000e+00, v14  }
0xec: {  	v16 =	vshll.u32 v13, $0xB;
	v17 =	vshll.u32 v13, $0x7;
	v60 =	vcvt.s32.f32 v13  }
0xed: {  	v61 =	vadd.s32 $0x1, v13;
	v16 =	vand.u32 $0xFFFFC000, v16;
	v17 =	vand.u32 $0x380, v17  }
0xee: {  	v62 =	vshll.u32 v61, $0x7;
	v16 =	vor.u32 v16, v17;
	v17 =	vshll.u32 v61, $0xB  }
0xef: {  	vm4 =	vlt.s32 v13, $0x13;
	v31 =	vand.u32 $0x380, v62;
	v63 =	vand.u32 $0xFFFFC000, v17  }
0xf0: {  	v16 =	vor.u32 v9, v16;
	v17 =	vsub.f32 v18, v60;
	v18 =	vor.u32 v63, v31  }
0xf1: {  	vm5 =	vlt.s32 v61, $0x13;
	v16 =	vor.u32 v8, v16;
	v9 =	vor.u32 v9, v18  }
0xf2: {  	s25 =	simm.s32 $0x19060;
	v29 =	vor.u32 v53, v32;
	vm2 =	vlt.s32 v50, $0x13;
	[tilespmem:s22+$0xFFFFFFE0] =	vst v45;
	v9 =	vor.u32 v8, v9  }
0xf3: {  	s26 =	simm.s32 $0x60;
	s23 =	simm.s32 $0x0;
	s24 =	simm.s32 $0x40;
	v7 =	vor.u32 v7, v29;
	[tilespmem:v28+s9+$0x0] =	vst.idx.msk vm3, v19;
	v18 =	vsub.f32 $1.000000000e+00, v17;
	v8 =	vor.u32 v4, v59  }
.LBB2_5:
0xf4: {  	v19 =	vld [tilespmem:s25+$0xFFFFFFE0];
	s28 =	sadd.s32 $0x10, s24;
	s29 =	sadd.s32 $0x20, s24;
	s23 =	sadd.s32 $0x4, s23;
	v20 =	vsub.f32 $1.000000000e+00, v12;
	v15 =	vor.u32 v5, v15;
	v21 =	vor.u32 v6, v7  }
0xf5: {  	v5 =	vmov s28;
	v6 =	vmov s29;
	v22 =	vor.u32 s29, v0;
	v23 =	vld [tilespmem:s25+$0x0];
	p1 =	slt.u32 s23, $0x7C  }
0xf6: {  	v24 =	vor.u32 s28, v0;
	s28 =	sadd.s32 $0x30, s24;
	v25 =	vld [tilespmem:s25+$0xFFFFFFF0];
	v5 =	vshll.u32 v5, $0x3;
	v6 =	vshll.u32 v6, $0x3;
	[tilespmem:v16+s9+$0x0] =	vst.idx.msk vm4, v18  }
0xf7: {  	v16 =	vmov s24;
	v18 =	vmov s28;
	v5 =	vand.u32 $0x3C00, v5;
	v26 =	vld [tilespmem:s25+$0x10];
	[tilespmem:v9+s9+$0x0] =	vst.idx.msk vm5, v17  }
0xf8: {  	v7 =	vand.u32 $0x3C00, v6;
	v9 =	vor.u32 v4, v15;
	v4 =	vand.u32 $0x5F, v24;
	[tilespmem:v8+s9+$0x0] =	vst.idx.msk vm0, v20  }
0xf9: {  	v17 =	vshll.u32 v18, $0x3;
	v6 =	vshll.u32 v19, $0xB;
	v15 =	vshll.u32 v19, $0x7;
	[tilespmem:s22+$0x10] =	vst v13  }
0xfa: {  	v8 =	vor.u32 s28, v0;
	v13 =	vand.u32 $0xFFFFC000, v6;
	v6 =	vand.u32 $0x6F, v22  }
0xfb: {  	v22 =	vshll.u32 v23, $0xB;
	v18 =	vshll.u32 v25, $0xB;
	v20 =	vshll.u32 v25, $0x7;
	[tilespmem:v21+s9+$0x0] =	vst.idx.msk vm2, v14  }
0xfc: {  	v8 =	vand.u32 $0x7F, v8;
	vm0 =	vlt.s32 v23, $0x13;
	v14 =	vadd.s32 $0x1, v23;
	[tilespmem:s22+$0x0] =	vst v11  }
0xfd: {  	v21 =	vshll.u32 v23, $0x7;
	v11 =	vand.u32 $0x380, v20;
	v20 =	vadd.s32 $0x1, v25;
	[tilespmem:v9+s9+$0x0] =	vst.idx.msk vm1, v12  }
0xfe: {  	v9 =	vshll.u32 v20, $0xB;
	v12 =	vand.u32 $0xFFFFC000, v22;
	v22 =	vshll.u32 v14, $0xB;
	[tilespmem:s22+$0xFFFFFFF0] =	vst v10;
	s22 =	smov.u32 s25  }
0xff: {  	vm3 =	vlt.s32 v25, $0x13;
	v10 =	vand.u32 $0x380, v21;
	v21 =	vshll.u32 v14, $0x7  }
0x100: {  	vm1 =	vlt.s32 v20, $0x13;
	v22 =	vand.u32 $0xFFFFC000, v22;
	v21 =	vand.u32 $0x380, v21  }
0x101: {  	v18 =	vand.u32 $0xFFFFC000, v18;
	v12 =	vor.u32 v12, v10;
	v10 =	vor.u32 v22, v21  }
0x102: {  	v11 =	vor.u32 v18, v11;
	v18 =	vshll.u32 v20, $0x7;
	v10 =	vor.u32 v7, v10  }
0x103: {  	v20 =	vor.u32 s24, v0;
	v18 =	vand.u32 $0x380, v18;
	v21 =	vor.u32 v6, v10  }
0x104: {  	vm2 =	vlt.s32 v14, $0x13;
	v11 =	vor.u32 v5, v11;
	v10 =	vand.u32 $0x4F, v20  }
0x105: {  	v14 =	vshll.u32 v16, $0x3;
	v16 =	vadd.s32 $0x1, v19;
	v20 =	vor.u32 v4, v11  }
0x106: {  	vm4 =	vlt.s32 v16, $0x13;
	v12 =	vor.u32 v7, v12;
	v11 =	vand.u32 $0x3C00, v14  }
0x107: {  	v9 =	vand.u32 $0xFFFFC000, v9;
	v14 =	vand.u32 $0x380, v15;
	v15 =	vshll.u32 v16, $0xB  }
0x108: {  	v13 =	vor.u32 v13, v14;
	v14 =	vand.u32 $0xFFFFC000, v15;
	v15 =	vshll.u32 v16, $0x7  }
0x109: {  	vm5 =	vlt.s32 v19, $0x13;
	v13 =	vor.u32 v11, v13;
	v15 =	vand.u32 $0x380, v15  }
0x10a: {  	v9 =	vor.u32 v9, v18;
	v13 =	vor.u32 v10, v13;
	v14 =	vor.u32 v14, v15  }
0x10b: {  	v15 =	vor.u32 v5, v9;
	v9 =	vshll.u32 v26, $0xB;
	v14 =	vor.u32 v11, v14;
	[tilespmem:v20+s9+$0x0] =	vst.idx.msk vm3, v1  }
0x10c: {  	v12 =	vor.u32 v6, v12;
	v16 =	vshll.u32 v26, $0x7;
	v14 =	vor.u32 v10, v14  }
0x10d: {  	v19 =	vadd.s32 $0x1, v26;
	v16 =	vand.u32 $0x380, v16;
	v18 =	vand.u32 $0xFFFFC000, v9  }
0x10e: {  	v9 =	vand.u32 $0x3C00, v17;
	v17 =	vshll.u32 v19, $0xB;
	v16 =	vor.u32 v18, v16  }
0x10f: {  	[tilespmem:v13+s9+$0x0] =	vst.idx.msk vm5, v1;
	v13 =	vor.u32 v9, v16;
	v16 =	vand.u32 $0xFFFFC000, v17;
	v17 =	vshll.u32 v19, $0x7  }
0x110: {  	v15 =	vor.u32 v4, v15;
	v18 =	vor.u32 v8, v13;
	v13 =	vand.u32 $0x380, v17  }
0x111: {  	[tilespmem:v14+s9+$0x0] =	vst.idx.msk vm4, v1;
	v13 =	vor.u32 v16, v13  }
0x112: {  	v14 =	vld [tilespmem:s26+$0xFFFFFFE0];
	[tilespmem:v12+s9+$0x0] =	vst.idx.msk vm0, v1;
	v12 =	vor.u32 v9, v13  }
0x113: {  	[tilespmem:v21+s9+$0x0] =	vst.idx.msk vm2, v1  }
0x114: {  	v16 =	vld [tilespmem:s26+$0x0]  }
0x115: {  	vm2 =	vlt.s32 v19, $0x13;
	v12 =	vor.u32 v8, v12;
	[tilespmem:v15+s9+$0x0] =	vst.idx.msk vm1, v1;
	vm1 =	vlt.s32 v26, $0x13  }
0x116: {  	v13 =	vld [tilespmem:s26+$0xFFFFFFF0]  }
0x117: {  	v15 =	vand.u32 $0x7FFFFFFF, v14;
	vm0 =	vgt.f32 v14, $0.0e+00  }
0x118: {  	vm3 =	vlt.f32 v14, $0.0e+00;
	v15 =	vadd.f32 $1.000000000e+00, v15  }
0x119: {  	vm0 =	vmor vm0, vm3;
	v17 =	vand.u32 $0x80000000, v16  }
0x11a: {  	v19 =	vshra.s32 v15, $0x1;
	v20 =	vmul.f32 $5.000000000e-01, v15  }
0x11b: {  	v17 =	vor.u32 v17, v3;
	v19 =	vsub.s32 $0x5F3759DF, v19;
	v21 =	vand.u32 $0x7FFFFFFF, v13;
	[tilespmem:v18+s9+$0x0] =	vst.idx.msk vm1, v1  }
0x11c: {  	v22 =	vand.u32 $0x7FFFFFFF, v16;
	v18 =	vmul.f32 v19, v20;
	v21 =	vadd.f32 $1.000000000e+00, v21;
	[tilespmem:v12+s9+$0x0] =	vst.idx.msk vm2, v1  }
0x11d: {  	v22 =	vadd.f32 $1.000000000e+00, v22;
	v23 =	vand.u32 $0x80000000, v13;
	vm1 =	vgt.f32 v16, $0.0e+00;
	v12 =	vld [tilespmem:s26+$0x10]  }
0x11e: {  	vm2 =	vlt.f32 v16, $0.0e+00;
	v18 =	vmul.f32 v19, v18;
	v24 =	vshra.s32 v21, $0x1  }
0x11f: {  	v26 =	vshra.s32 v22, $0x1;
	v27 =	vmul.f32 $5.000000000e-01, v22;
	v25 =	vmul.f32 $5.000000000e-01, v21  }
0x120: {  	v26 =	vsub.s32 $0x5F3759DF, v26;
	vm1 =	vmor vm1, vm2;
	v18 =	vsub.f32 $1.500000000e+00, v18  }
0x121: {  	v28 =	vmul.f32 v26, v27;
	v17 =	vsel vm1, v17, v16;
	v24 =	vsub.s32 $0x5F3759DF, v24  }
0x122: {  	v18 =	vmul.f32 v19, v18;
	v19 =	vmul.f32 v24, v25;
	v29 =	vand.u32 $0x7FFFFFFF, v12  }
0x123: {  	vm1 =	vlt.f32 v13, $0.0e+00;
	v28 =	vmul.f32 v26, v28;
	v29 =	vadd.f32 $1.000000000e+00, v29  }
0x124: {  	vm2 =	vgt.f32 v13, $0.0e+00;
	v20 =	vmul.f32 v18, v20;
	v19 =	vmul.f32 v24, v19  }
0x125: {  	vm1 =	vmor vm2, vm1;
	v28 =	vsub.f32 $1.500000000e+00, v28;
	v30 =	vshra.s32 v29, $0x1  }
0x126: {  	v31 =	vmul.f32 $5.000000000e-01, v29;
	v20 =	vmul.f32 v20, v18;
	v30 =	vsub.s32 $0x5F3759DF, v30  }
0x127: {  	v26 =	vmul.f32 v26, v28;
	v28 =	vand.u32 $0x80000000, v12;
	v19 =	vsub.f32 $1.500000000e+00, v19  }
0x128: {  	vm2 =	vlt.f32 v12, $0.0e+00;
	v32 =	vmul.f32 v30, v31;
	v20 =	vsub.f32 $1.500000000e+00, v20  }
0x129: {  	v19 =	vmul.f32 v24, v19;
	v24 =	vmul.f32 v26, v27;
	v27 =	vor.u32 v28, v3  }
0x12a: {  	vm3 =	vgt.f32 v12, $0.0e+00;
	v18 =	vmul.f32 v20, v18;
	v20 =	vmul.f32 v30, v32  }
0x12b: {  	vm2 =	vmor vm3, vm2;
	v25 =	vmul.f32 v19, v25;
	v24 =	vmul.f32 v24, v26  }
0x12c: {  	v15 =	vmul.f32 v18, v15;
	v18 =	vsub.f32 $1.500000000e+00, v20;
	v20 =	vsel vm2, v27, v12  }
0x12d: {  	v25 =	vmul.f32 v25, v19;
	v24 =	vsub.f32 $1.500000000e+00, v24  }
0x12e: {  	v27 =	vmul.f32 $1.000000050e-03, v14;
	v15 =	vadd.f32 $-1.000000000e+00, v15  }
0x12f: {  	v28 =	vand.u32 $0x80000000, v14;
	v25 =	vsub.f32 $1.500000000e+00, v25;
	v24 =	vmul.f32 v24, v26  }
0x130: {  	v26 =	vor.u32 v28, v3;
	v18 =	vmul.f32 v30, v18;
	v15 =	vadd.f32 v15, v27  }
0x131: {  	v14 =	vsel vm0, v26, v14;
	v19 =	vmul.f32 v25, v19;
	v22 =	vmul.f32 v24, v22  }
0x132: {  	v14 =	vmul.f32 v15, v14;
	v15 =	vmul.f32 v18, v31  }
0x133: {  	v16 =	vmul.f32 $1.000000050e-03, v16;
	v19 =	vmul.f32 v19, v21;
	v21 =	vadd.f32 $-1.000000000e+00, v22  }
0x134: {  	v22 =	vmul.f32 $1.000000050e-03, v13;
	v14 =	vmax.f32 v14, $0.0e+00;
	v15 =	vmul.f32 v15, v18  }
0x135: {  	v19 =	vadd.f32 $-1.000000000e+00, v19;
	v16 =	vadd.f32 v21, v16;
	v14 =	vmin.f32 v14, $1.900000000e+01  }
0x136: {  	v23 =	vor.u32 v23, v3;
	v21 =	vtrunc.f32 v14;
	v15 =	vsub.f32 $1.500000000e+00, v15  }
0x137: {  	v19 =	vadd.f32 v19, v22;
	v16 =	vmul.f32 v16, v17;
	v21 =	vcvt.f32.s32 v21  }
0x138: {  	v13 =	vsel vm1, v23, v13;
	v15 =	vmul.f32 v15, v18  }
0x139: {  	v13 =	vmul.f32 v19, v13;
	v17 =	vshll.u32 v21, $0xB;
	v18 =	vshll.u32 v21, $0x7  }
0x13a: {  	v17 =	vand.u32 $0xFFFFC000, v17;
	v18 =	vand.u32 $0x380, v18  }
0x13b: {  	v15 =	vmul.f32 v15, v29;
	v17 =	vor.u32 v17, v18;
	v18 =	vadd.s32 $0x1, v21  }
0x13c: {  	v16 =	vmax.f32 v16, $0.0e+00;
	v19 =	vcvt.s32.f32 v21;
	v17 =	vor.u32 v11, v17  }
0x13d: {  	vm0 =	vlt.s32 v21, $0x13;
	v22 =	vshll.u32 v18, $0x7;
	v17 =	vor.u32 v10, v17  }
0x13e: {  	v16 =	vmin.f32 v16, $1.900000000e+01;
	v19 =	vsub.f32 v14, v19;
	v14 =	vshll.u32 v18, $0xB  }
0x13f: {  	v23 =	vtrunc.f32 v16;
	v14 =	vand.u32 $0xFFFFC000, v14;
	v22 =	vand.u32 $0x380, v22  }
0x140: {  	v13 =	vmax.f32 v13, $0.0e+00;
	v24 =	vsub.f32 $1.000000000e+00, v19;
	v14 =	vor.u32 v14, v22  }
0x141: {  	v13 =	vmin.f32 v13, $1.900000000e+01;
	v11 =	vor.u32 v11, v14;
	v14 =	vadd.f32 $-1.000000000e+00, v15  }
0x142: {  	v22 =	vor.u32 v10, v11;
	v10 =	vtrunc.f32 v13  }
0x143: {  	v11 =	vcvt.f32.s32 v23;
	v10 =	vcvt.f32.s32 v10;
	[tilespmem:v17+s9+$0x0] =	vst.idx.msk vm0, v24  }
0x144: {  	v12 =	vmul.f32 $1.000000050e-03, v12  }
0x145: {  	v15 =	vshll.u32 v11, $0xB;
	vm0 =	vlt.s32 v10, $0x13;
	v17 =	vshll.u32 v11, $0x7  }
0x146: {  	v12 =	vadd.f32 v14, v12;
	v23 =	vadd.s32 $0x1, v10;
	v24 =	vadd.s32 $0x1, v11  }
0x147: {  	v25 =	vand.u32 $0xFFFFC000, v15;
	v14 =	vshll.u32 v23, $0x7;
	v15 =	vshll.u32 v24, $0xB  }
0x148: {  	v26 =	vshll.u32 v10, $0xB;
	v27 =	vand.u32 $0xFFFFC000, v15;
	v15 =	vshll.u32 v24, $0x7  }
0x149: {  	vm3 =	vlt.s32 v11, $0x13;
	v28 =	vshll.u32 v10, $0x7;
	v12 =	vmul.f32 v12, v20  }
0x14a: {  	v20 =	vcvt.s32.f32 v10;
	v29 =	vshll.u32 v23, $0xB;
	v30 =	vand.u32 $0x380, v15  }
0x14b: {  	v14 =	vand.u32 $0x380, v14;
	v15 =	vand.u32 $0xFFFFC000, v29;
	v29 =	vmax.f32 v12, $0.0e+00  }
0x14c: {  	v12 =	vsub.f32 v13, v20;
	v13 =	vand.u32 $0x380, v17;
	v17 =	vmin.f32 v29, $1.900000000e+01  }
0x14d: {  	vm1 =	vlt.s32 v18, $0x13;
	v15 =	vor.u32 v15, v14;
	v13 =	vor.u32 v25, v13  }
0x14e: {  	v18 =	vand.u32 $0x380, v28;
	v14 =	vand.u32 $0xFFFFC000, v26;
	v20 =	vtrunc.f32 v17  }
0x14f: {  	v25 =	vcvt.s32.f32 v11;
	v26 =	vor.u32 v7, v13;
	v13 =	vcvt.f32.s32 v20  }
0x150: {  	v14 =	vor.u32 v14, v18;
	v20 =	vor.u32 v6, v26;
	v26 =	vor.u32 v27, v30  }
0x151: {  	v27 =	vor.u32 v5, v14;
	v18 =	vshll.u32 v13, $0xB;
	v28 =	vshll.u32 v13, $0x7  }
0x152: {  	v14 =	vsub.f32 v16, v25;
	v16 =	vand.u32 $0xFFFFC000, v18;
	v18 =	vand.u32 $0x380, v28  }
0x153: {  	v25 =	vcvt.s32.f32 v13;
	v16 =	vor.u32 v16, v18;
	v18 =	vadd.s32 $0x1, v13  }
0x154: {  	v16 =	vor.u32 v9, v16;
	[tilespmem:v22+s9+$0x0] =	vst.idx.msk vm1, v19;
	v19 =	vshll.u32 v18, $0xB;
	v22 =	vshll.u32 v18, $0x7  }
.Ltmp1:
0x155: {  	v16 =	vor.u32 v8, v16;
	v19 =	vand.u32 $0xFFFFC000, v19;
	v22 =	vand.u32 $0x380, v22;
	(pc) =	sbr.rel @p1 .LBB2_5-.Ltmp1, $4  }
0x156: {  	vm4 =	vlt.s32 v13, $0x13;
	v17 =	vsub.f32 v17, v25;
	v19 =	vor.u32 v19, v22  }
0x157: {  	vm5 =	vlt.s32 v18, $0x13;
	[tilespmem:s25+$0xFFFFFFE0] =	vst v21;
	v21 =	vsub.f32 $1.000000000e+00, v14;
	v9 =	vor.u32 v9, v19  }
0x158: {  	vm2 =	vlt.s32 v24, $0x13;
	v18 =	vsub.f32 $1.000000000e+00, v17;
	v9 =	vor.u32 v8, v9  }
0x159: {  	s24 =	sadd.s32 $0x40, s24;
	s26 =	sadd.s32 $0x40, s26;
	v7 =	vor.u32 v7, v26;
	vm1 =	vlt.s32 v23, $0x13;
	s25 =	sadd.s32 $0x40, s25;
	v8 =	vor.u32 v4, v27;
	[tilespmem:v20+s9+$0x0] =	vst.idx.msk vm3, v21  }
0x15a: {  	_ =	sdelay $0x3  }
0x15b: {  	v6 =	vor.u32 v6, v7  }
0x15c: {  	v7 =	vsub.f32 $1.000000000e+00, v12;
	v5 =	vor.u32 v5, v15;
	[tilespmem:v16+s9+$0x0] =	vst.idx.msk vm4, v18  }
0x15d: {  	[tilespmem:v9+s9+$0x0] =	vst.idx.msk vm5, v17;
	v4 =	vor.u32 v4, v5  }
0x15e: {  	[tilespmem:v8+s9+$0x0] =	vst.idx.msk vm0, v7  }
0x15f: {  	[tilespmem:s22+$0x10] =	vst v13  }
0x160: {  	[tilespmem:v6+s9+$0x0] =	vst.idx.msk vm2, v14  }
0x161: {  	[tilespmem:s22+$0x0] =	vst v11  }
0x162: {  	[tilespmem:v4+s9+$0x0] =	vst.idx.msk vm1, v12  }
0x163: {  	s28 =	sadd.s32 s3, s21;
	[tilespmem:s22+$0xFFFFFFF0] =	vst v10;
	s22 =	simm.s32 @!p0 $0x2  }
0x164: {  	[hbm4b:s28+s13] =	stream.strided.scatter [tilespmem:s9], [sflag:$0x1], $0xC000, s14, s13, $0x38;
	[tilespmem:$0x1A000] =	vst v63  }
0x165: {  	_ =	swait.ge @!p0 [sflag:s22], $0xC000  }
0x166: {  	[sflag:s22] =	ssyncset.done @!p0 $0x0  }
0x167: {  	[sflag:s22] =	ssyncadd.s32 @!p0 $0xFFFF4000;
	p0 =	seq.s32 s20, $0xF  }
0x168: {  	_ =	swait.ge [sflag:s15], $0x800;
	s22 =	sshrl.u32 @!p0 s21, $0x3  }
0x169: {  	[sflag:s15] =	ssyncset.done $0x0;
	s22 =	sadd.s32 @!p0 s2, s22  }
0x16a: {  	s23 =	simm.s32 @!p0 $0x0;
	[sflag:s15] =	ssyncadd.s32 $0xFFFFF800;
	s22 =	sadd.s32 @!p0 $0x200, s22  }
0x16b: {  	[tilespmem:s23], [sflag:$0x3] =	stream.linear.gather @!p0 [hbm4b:s22+s23], $0x800, $0x38;
	[tilespmem:$0x1A000] =	vst v63  }
0x16c: {  	s22 =	simm.s32 $0x19820  }
0x16d: {  	s24 =	simm.s32 $0x20;
	s30 =	simm.s32 $0x30;
	v8 =	vld [tilespmem:s22+$0xFFFFFFE0]  }
0x16e: {  	s29 =	simm.s32 $0x10;
	v5 =	vmov s24;
	v13 =	vmov s30;
	v9 =	vld [tilespmem:s22+$0x0]  }
0x16f: {  	v15 =	vor.u32 s30, v0;
	v7 =	vor.u32 s29, v0;
	v13 =	vshll.u32 v13, $0x3;
	v10 =	vld [tilespmem:s22+$0xFFFFFFF0]  }
0x170: {  	s25 =	simm.s32 $0x0;
	v6 =	vor.u32 s24, v0;
	v4 =	vmov s29;
	v11 =	vshll.u32 v5, $0x3  }
0x171: {  	v12 =	vmov s25;
	v6 =	vand.u32 $0x6F, v6;
	v4 =	vshll.u32 v4, $0x3  }
0x172: {  	v23 =	vshll.u32 v12, $0x3;
	v5 =	vand.u32 $0x3C00, v4;
	v4 =	vand.u32 $0x5F, v7  }
0x173: {  	v7 =	vand.u32 $0x3C00, v11;
	v11 =	vshll.u32 v8, $0xB;
	v14 =	vshll.u32 v8, $0x7  }
0x174: {  	v16 =	vshll.u32 v10, $0xB;
	v17 =	vshll.u32 v10, $0x7;
	v18 =	vshll.u32 v9, $0xB  }
0x175: {  	vm0 =	vlt.s32 v9, $0x13;
	v19 =	vadd.s32 $0x1, v9;
	v20 =	vadd.s32 $0x1, v10  }
0x176: {  	v9 =	vshll.u32 v9, $0x7;
	vm1 =	vlt.s32 v10, $0x13;
	v10 =	vor.u32 s25, v0  }
0x177: {  	v24 =	vadd.s32 $0x1, v8;
	vm2 =	vlt.s32 v8, $0x13;
	v11 =	vand.u32 $0xFFFFC000, v11  }
0x178: {  	v17 =	vand.u32 $0x380, v17;
	v21 =	vshll.u32 v20, $0xB;
	v18 =	vand.u32 $0xFFFFC000, v18  }
0x179: {  	v22 =	vshll.u32 v19, $0xB;
	v12 =	vand.u32 $0x4F, v10;
	v10 =	vand.u32 $0x3C00, v23  }
0x17a: {  	v14 =	vand.u32 $0x380, v14;
	v31 =	vshll.u32 v24, $0xB;
	v25 =	vshll.u32 v24, $0x7  }
0x17b: {  	v11 =	vor.u32 v11, v14;
	v14 =	vand.u32 $0xFFFFC000, v31;
	v32 =	vand.u32 $0x380, v25  }
0x17c: {  	v9 =	vand.u32 $0x380, v9;
	v8 =	vor.u32 v10, v11;
	v11 =	vor.u32 v14, v32  }
0x17d: {  	vm3 =	vlt.s32 v24, $0x13;
	v8 =	vor.u32 v12, v8;
	v11 =	vor.u32 v10, v11  }
0x17e: {  	v16 =	vand.u32 $0xFFFFC000, v16;
	v22 =	vand.u32 $0xFFFFC000, v22;
	v11 =	vor.u32 v12, v11  }
0x17f: {  	v9 =	vor.u32 v18, v9;
	v16 =	vor.u32 v16, v17;
	v14 =	vshll.u32 v19, $0x7  }
0x180: {  	v18 =	vld [tilespmem:s22+$0x10];
	v17 =	vshll.u32 v20, $0x7;
	v16 =	vor.u32 v5, v16;
	v14 =	vand.u32 $0x380, v14  }
0x181: {  	v21 =	vand.u32 $0xFFFFC000, v21;
	v16 =	vor.u32 v4, v16;
	v14 =	vor.u32 v22, v14  }
0x182: {  	v17 =	vand.u32 $0x380, v17;
	v9 =	vor.u32 v7, v9;
	v14 =	vor.u32 v7, v14;
	[tilespmem:v8+s10+$0x0] =	vst.idx.msk vm2, v1  }
0x183: {  	s31 =	simm.s32 $0x820;
	vm2 =	vlt.s32 v19, $0x13;
	v8 =	vor.u32 v21, v17;
	v17 =	vor.u32 v6, v9;
	[tilespmem:v11+s10+$0x0] =	vst.idx.msk vm3, v1  }
0x184: {  	vm3 =	vlt.s32 v20, $0x13;
	v11 =	vor.u32 v6, v14;
	v8 =	vor.u32 v5, v8;
	v14 =	vld [tilespmem:s31+$0xFFFFFFE0]  }
0x185: {  	v9 =	vshll.u32 v18, $0xB;
	v19 =	vshll.u32 v18, $0x7;
	v20 =	vor.u32 v4, v8  }
0x186: {  	[tilespmem:v16+s10+$0x0] =	vst.idx.msk vm1, v1;
	v16 =	vadd.s32 $0x1, v18;
	vm1 =	vlt.s32 v18, $0x13;
	v19 =	vand.u32 $0x380, v19  }
0x187: {  	v8 =	vand.u32 $0x7F, v15;
	v15 =	vand.u32 $0xFFFFC000, v9;
	v9 =	vand.u32 $0x3C00, v13  }
0x188: {  	v13 =	vor.u32 v15, v19;
	v15 =	vshll.u32 v16, $0xB;
	v19 =	vshll.u32 v16, $0x7;
	[tilespmem:v17+s10+$0x0] =	vst.idx.msk vm0, v1  }
0x189: {  	v15 =	vand.u32 $0xFFFFC000, v15;
	v17 =	vand.u32 $0x380, v19;
	[tilespmem:v11+s10+$0x0] =	vst.idx.msk vm2, v1;
	v11 =	vand.u32 $0x7FFFFFFF, v14  }
0x18a: {  	v13 =	vor.u32 v9, v13;
	v15 =	vor.u32 v15, v17;
	v17 =	vld [tilespmem:s31+$0x0];
	[tilespmem:v20+s10+$0x0] =	vst.idx.msk vm3, v1;
	v11 =	vadd.f32 $1.000000000e+00, v11  }
0x18b: {  	v13 =	vor.u32 v8, v13;
	vm2 =	vlt.s32 v16, $0x13;
	v16 =	vld [tilespmem:s31+$0xFFFFFFF0]  }
0x18c: {  	v15 =	vor.u32 v9, v15;
	v18 =	vshra.s32 v11, $0x1;
	v19 =	vmul.f32 $5.000000000e-01, v11  }
0x18d: {  	v15 =	vor.u32 v8, v15;
	v18 =	vsub.s32 $0x5F3759DF, v18  }
0x18e: {  	vm0 =	vgt.f32 v14, $0.0e+00;
	vm3 =	vlt.f32 v14, $0.0e+00;
	v20 =	vmul.f32 v18, v19  }
0x18f: {  	v42 =	vmul.f32 $1.000000050e-03, v14;
	v31 =	vand.u32 $0x80000000, v14;
	v34 =	vand.u32 $0x7FFFFFFF, v17  }
0x190: {  	[tilespmem:v13+s10+$0x0] =	vst.idx.msk vm1, v1;
	v35 =	vand.u32 $0x7FFFFFFF, v16;
	v13 =	vadd.f32 $1.000000000e+00, v34;
	v20 =	vmul.f32 v18, v20  }
0x191: {  	vm0 =	vmor vm0, vm3;
	v43 =	vor.u32 v31, v3;
	v36 =	vadd.f32 $1.000000000e+00, v35  }
0x192: {  	[tilespmem:v15+s10+$0x0] =	vst.idx.msk vm2, v1;
	v38 =	vshra.s32 v13, $0x1;
	v39 =	vmul.f32 $5.000000000e-01, v13;
	v20 =	vsub.f32 $1.500000000e+00, v20  }
0x193: {  	v37 =	vld [tilespmem:s31+$0x10];
	v26 =	vshra.s32 v36, $0x1;
	v27 =	vmul.f32 $5.000000000e-01, v36;
	v24 =	vsub.s32 $0x5F3759DF, v38  }
0x194: {  	v26 =	vsub.s32 $0x5F3759DF, v26;
	v28 =	vmul.f32 v24, v39;
	v18 =	vmul.f32 v18, v20  }
0x195: {  	v14 =	vsel vm0, v43, v14;
	v33 =	vand.u32 $0x80000000, v17;
	v20 =	vmul.f32 v26, v27  }
0x196: {  	vm1 =	vgt.f32 v17, $0.0e+00;
	v28 =	vmul.f32 v24, v28;
	v19 =	vmul.f32 v18, v19  }
0x197: {  	v21 =	vor.u32 v33, v3;
	v15 =	vand.u32 $0x80000000, v16;
	v20 =	vmul.f32 v26, v20  }
0x198: {  	v29 =	vand.u32 $0x7FFFFFFF, v37;
	v28 =	vsub.f32 $1.500000000e+00, v28;
	v19 =	vmul.f32 v19, v18  }
0x199: {  	vm2 =	vlt.f32 v17, $0.0e+00;
	v29 =	vadd.f32 $1.000000000e+00, v29;
	v20 =	vsub.f32 $1.500000000e+00, v20  }
0x19a: {  	v44 =	vmul.f32 $1.000000050e-03, v16;
	v24 =	vmul.f32 v24, v28;
	v19 =	vsub.f32 $1.500000000e+00, v19  }
0x19b: {  	v40 =	vshra.s32 v29, $0x1;
	v30 =	vmul.f32 $5.000000000e-01, v29;
	v20 =	vmul.f32 v26, v20  }
0x19c: {  	v41 =	vsub.s32 $0x5F3759DF, v40;
	v25 =	vmul.f32 v24, v39;
	v18 =	vmul.f32 v19, v18  }
0x19d: {  	vm1 =	vmor vm1, vm2;
	v28 =	vmul.f32 v41, v30;
	v27 =	vmul.f32 v20, v27  }
0x19e: {  	v19 =	vand.u32 $0x80000000, v37;
	v25 =	vmul.f32 v25, v24;
	v11 =	vmul.f32 v18, v11  }
0x19f: {  	v18 =	vor.u32 v19, v3;
	v19 =	vmul.f32 v41, v28;
	v27 =	vmul.f32 v27, v20  }
0x1a0: {  	vm2 =	vgt.f32 v16, $0.0e+00;
	v25 =	vsub.f32 $1.500000000e+00, v25;
	v11 =	vadd.f32 $-1.000000000e+00, v11  }
0x1a1: {  	v21 =	vsel vm1, v21, v17;
	v19 =	vsub.f32 $1.500000000e+00, v19;
	v27 =	vsub.f32 $1.500000000e+00, v27  }
0x1a2: {  	v17 =	vmul.f32 $1.000000050e-03, v17;
	v24 =	vmul.f32 v25, v24;
	v11 =	vadd.f32 v11, v42  }
0x1a3: {  	v15 =	vor.u32 v15, v3;
	v19 =	vmul.f32 v41, v19;
	v20 =	vmul.f32 v27, v20  }
0x1a4: {  	vm1 =	vlt.f32 v16, $0.0e+00;
	v13 =	vmul.f32 v24, v13;
	v11 =	vmul.f32 v11, v14  }
0x1a5: {  	vm1 =	vmor vm2, vm1;
	vm2 =	vlt.f32 v37, $0.0e+00;
	v14 =	vmul.f32 v19, v30  }
0x1a6: {  	v20 =	vmul.f32 v20, v36;
	v13 =	vadd.f32 $-1.000000000e+00, v13;
	v11 =	vmax.f32 v11, $0.0e+00  }
0x1a7: {  	vm0 =	vgt.f32 v37, $0.0e+00;
	v14 =	vmul.f32 v14, v19;
	v11 =	vmin.f32 v11, $1.900000000e+01  }
0x1a8: {  	v20 =	vadd.f32 $-1.000000000e+00, v20;
	v13 =	vadd.f32 v13, v17;
	v17 =	vtrunc.f32 v11  }
0x1a9: {  	vm0 =	vmor vm0, vm2;
	v14 =	vsub.f32 $1.500000000e+00, v14;
	v45 =	vcvt.f32.s32 v17  }
0x1aa: {  	v15 =	vsel vm1, v15, v16;
	v18 =	vsel vm0, v18, v37;
	v17 =	vadd.f32 v20, v44  }
0x1ab: {  	v13 =	vmul.f32 v13, v21;
	v14 =	vmul.f32 v14, v19;
	v16 =	vshll.u32 v45, $0xB  }
0x1ac: {  	v20 =	vshll.u32 v45, $0x7;
	v15 =	vmul.f32 v17, v15;
	v17 =	vadd.s32 $0x1, v45  }
0x1ad: {  	v13 =	vmax.f32 v13, $0.0e+00;
	v16 =	vand.u32 $0xFFFFC000, v16;
	v19 =	vand.u32 $0x380, v20  }
0x1ae: {  	vm1 =	vlt.s32 v45, $0x13;
	v14 =	vmul.f32 v14, v29;
	v16 =	vor.u32 v16, v19  }
0x1af: {  	v46 =	vmin.f32 v13, $1.900000000e+01;
	v19 =	vcvt.s32.f32 v45;
	v16 =	vor.u32 v10, v16  }
0x1b0: {  	vm2 =	vlt.s32 v17, $0x13;
	v13 =	vmax.f32 v15, $0.0e+00;
	v20 =	vor.u32 v12, v16  }
0x1b1: {  	v16 =	vshll.u32 v17, $0x7;
	v19 =	vsub.f32 v11, v19;
	v11 =	vshll.u32 v17, $0xB  }
0x1b2: {  	v13 =	vmin.f32 v13, $1.900000000e+01;
	v11 =	vand.u32 $0xFFFFC000, v11;
	v15 =	vand.u32 $0x380, v16  }
0x1b3: {  	v16 =	vtrunc.f32 v46;
	v11 =	vor.u32 v11, v15;
	v15 =	vtrunc.f32 v13  }
0x1b4: {  	v48 =	vor.u32 v10, v11;
	v10 =	vcvt.f32.s32 v15;
	v11 =	vcvt.f32.s32 v16  }
0x1b5: {  	v14 =	vadd.f32 $-1.000000000e+00, v14;
	v47 =	vsub.f32 $1.000000000e+00, v19;
	v25 =	vor.u32 v12, v48  }
0x1b6: {  	v12 =	vmul.f32 $1.000000050e-03, v37;
	vm0 =	vlt.s32 v10, $0x13;
	v15 =	vshll.u32 v11, $0xB  }
0x1b7: {  	v16 =	vshll.u32 v11, $0x7;
	v49 =	vadd.s32 $0x1, v10;
	v50 =	vadd.s32 $0x1, v11  }
0x1b8: {  	v52 =	vshll.u32 v10, $0xB;
	v54 =	vshll.u32 v10, $0x7;
	v57 =	vcvt.s32.f32 v11  }
0x1b9: {  	v12 =	vadd.f32 v14, v12;
	v51 =	vand.u32 $0xFFFFC000, v15;
	v15 =	vshll.u32 v50, $0xB  }
0x1ba: {  	v14 =	vshll.u32 v49, $0x7;
	v55 =	vshll.u32 v49, $0xB;
	v53 =	vand.u32 $0xFFFFC000, v15  }
0x1bb: {  	v15 =	vshll.u32 v50, $0x7;
	v14 =	vand.u32 $0x380, v14;
	v12 =	vmul.f32 v12, v18  }
0x1bc: {  	v18 =	vcvt.s32.f32 v10;
	v32 =	vand.u32 $0x380, v15;
	v15 =	vand.u32 $0xFFFFC000, v55  }
0x1bd: {  	v15 =	vor.u32 v15, v14;
	v14 =	vand.u32 $0xFFFFC000, v52;
	v56 =	vmax.f32 v12, $0.0e+00  }
0x1be: {  	v12 =	vsub.f32 v13, v18;
	v13 =	vand.u32 $0x380, v16;
	v16 =	vand.u32 $0x380, v54  }
0x1bf: {  	v18 =	vmin.f32 v56, $1.900000000e+01;
	v13 =	vor.u32 v51, v13;
	v14 =	vor.u32 v14, v16  }
0x1c0: {  	v17 =	vtrunc.f32 v18;
	v59 =	vor.u32 v5, v14;
	v14 =	vsub.f32 v46, v57  }
0x1c1: {  	vm3 =	vlt.s32 v11, $0x13;
	[tilespmem:v20+s10+$0x0] =	vst.idx.msk vm1, v47;
	v58 =	vor.u32 v7, v13;
	v13 =	vcvt.f32.s32 v17  }
0x1c2: {  	vm1 =	vlt.s32 v49, $0x13;
	[tilespmem:v25+s10+$0x0] =	vst.idx.msk vm2, v19;
	v28 =	vor.u32 v6, v58;
	v19 =	vsub.f32 $1.000000000e+00, v14  }
0x1c3: {  	v16 =	vshll.u32 v13, $0xB;
	v17 =	vshll.u32 v13, $0x7;
	v60 =	vcvt.s32.f32 v13  }
0x1c4: {  	v61 =	vadd.s32 $0x1, v13;
	v16 =	vand.u32 $0xFFFFC000, v16;
	v17 =	vand.u32 $0x380, v17  }
0x1c5: {  	v62 =	vshll.u32 v61, $0x7;
	v16 =	vor.u32 v16, v17;
	v17 =	vshll.u32 v61, $0xB  }
0x1c6: {  	vm4 =	vlt.s32 v13, $0x13;
	v31 =	vand.u32 $0x380, v62;
	v63 =	vand.u32 $0xFFFFC000, v17  }
0x1c7: {  	v16 =	vor.u32 v9, v16;
	v17 =	vsub.f32 v18, v60;
	v18 =	vor.u32 v63, v31  }
0x1c8: {  	vm5 =	vlt.s32 v61, $0x13;
	v16 =	vor.u32 v8, v16;
	v9 =	vor.u32 v9, v18  }
0x1c9: {  	s26 =	simm.s32 $0x860;
	s24 =	simm.s32 $0x40;
	v29 =	vor.u32 v53, v32;
	vm2 =	vlt.s32 v50, $0x13;
	[tilespmem:s22+$0xFFFFFFE0] =	vst v45;
	v9 =	vor.u32 v8, v9  }
0x1ca: {  	s21 =	sor.u32 $0x800, s21;
	s23 =	simm.s32 $0x0;
	s25 =	simm.s32 $0x19860;
	v7 =	vor.u32 v7, v29;
	[tilespmem:v28+s10+$0x0] =	vst.idx.msk vm3, v19;
	v18 =	vsub.f32 $1.000000000e+00, v17;
	v8 =	vor.u32 v4, v59  }
.LBB2_7:
0x1cb: {  	v19 =	vld [tilespmem:s25+$0xFFFFFFE0];
	s28 =	sadd.s32 $0x10, s24;
	s29 =	sadd.s32 $0x20, s24;
	s23 =	sadd.s32 $0x4, s23;
	v20 =	vsub.f32 $1.000000000e+00, v12;
	v15 =	vor.u32 v5, v15;
	v21 =	vor.u32 v6, v7  }
0x1cc: {  	v5 =	vmov s28;
	v6 =	vmov s29;
	v22 =	vor.u32 s29, v0;
	v23 =	vld [tilespmem:s25+$0x0];
	p0 =	slt.u32 s23, $0x7C  }
0x1cd: {  	v24 =	vor.u32 s28, v0;
	s28 =	sadd.s32 $0x30, s24;
	v25 =	vld [tilespmem:s25+$0xFFFFFFF0];
	v5 =	vshll.u32 v5, $0x3;
	v6 =	vshll.u32 v6, $0x3;
	[tilespmem:v16+s10+$0x0] =	vst.idx.msk vm4, v18  }
0x1ce: {  	v16 =	vmov s24;
	v18 =	vmov s28;
	v5 =	vand.u32 $0x3C00, v5;
	v26 =	vld [tilespmem:s25+$0x10];
	[tilespmem:v9+s10+$0x0] =	vst.idx.msk vm5, v17  }
0x1cf: {  	v7 =	vand.u32 $0x3C00, v6;
	v9 =	vor.u32 v4, v15;
	v4 =	vand.u32 $0x5F, v24;
	[tilespmem:v8+s10+$0x0] =	vst.idx.msk vm0, v20  }
0x1d0: {  	v17 =	vshll.u32 v18, $0x3;
	v6 =	vshll.u32 v19, $0xB;
	v15 =	vshll.u32 v19, $0x7;
	[tilespmem:s22+$0x10] =	vst v13  }
0x1d1: {  	v8 =	vor.u32 s28, v0;
	v13 =	vand.u32 $0xFFFFC000, v6;
	v6 =	vand.u32 $0x6F, v22  }
0x1d2: {  	v22 =	vshll.u32 v23, $0xB;
	v18 =	vshll.u32 v25, $0xB;
	v20 =	vshll.u32 v25, $0x7;
	[tilespmem:v21+s10+$0x0] =	vst.idx.msk vm2, v14  }
0x1d3: {  	v8 =	vand.u32 $0x7F, v8;
	vm0 =	vlt.s32 v23, $0x13;
	v14 =	vadd.s32 $0x1, v23;
	[tilespmem:s22+$0x0] =	vst v11  }
0x1d4: {  	v21 =	vshll.u32 v23, $0x7;
	v11 =	vand.u32 $0x380, v20;
	v20 =	vadd.s32 $0x1, v25;
	[tilespmem:v9+s10+$0x0] =	vst.idx.msk vm1, v12  }
0x1d5: {  	v9 =	vshll.u32 v20, $0xB;
	v12 =	vand.u32 $0xFFFFC000, v22;
	v22 =	vshll.u32 v14, $0xB;
	[tilespmem:s22+$0xFFFFFFF0] =	vst v10;
	s22 =	smov.u32 s25  }
0x1d6: {  	vm3 =	vlt.s32 v25, $0x13;
	v10 =	vand.u32 $0x380, v21;
	v21 =	vshll.u32 v14, $0x7  }
0x1d7: {  	vm1 =	vlt.s32 v20, $0x13;
	v22 =	vand.u32 $0xFFFFC000, v22;
	v21 =	vand.u32 $0x380, v21  }
0x1d8: {  	v18 =	vand.u32 $0xFFFFC000, v18;
	v12 =	vor.u32 v12, v10;
	v10 =	vor.u32 v22, v21  }
0x1d9: {  	v11 =	vor.u32 v18, v11;
	v18 =	vshll.u32 v20, $0x7;
	v10 =	vor.u32 v7, v10  }
0x1da: {  	v20 =	vor.u32 s24, v0;
	v18 =	vand.u32 $0x380, v18;
	v21 =	vor.u32 v6, v10  }
0x1db: {  	vm2 =	vlt.s32 v14, $0x13;
	v11 =	vor.u32 v5, v11;
	v10 =	vand.u32 $0x4F, v20  }
0x1dc: {  	v14 =	vshll.u32 v16, $0x3;
	v16 =	vadd.s32 $0x1, v19;
	v20 =	vor.u32 v4, v11  }
0x1dd: {  	vm4 =	vlt.s32 v16, $0x13;
	v12 =	vor.u32 v7, v12;
	v11 =	vand.u32 $0x3C00, v14  }
0x1de: {  	v9 =	vand.u32 $0xFFFFC000, v9;
	v14 =	vand.u32 $0x380, v15;
	v15 =	vshll.u32 v16, $0xB  }
0x1df: {  	v13 =	vor.u32 v13, v14;
	v14 =	vand.u32 $0xFFFFC000, v15;
	v15 =	vshll.u32 v16, $0x7  }
0x1e0: {  	vm5 =	vlt.s32 v19, $0x13;
	v13 =	vor.u32 v11, v13;
	v15 =	vand.u32 $0x380, v15  }
0x1e1: {  	v9 =	vor.u32 v9, v18;
	v13 =	vor.u32 v10, v13;
	v14 =	vor.u32 v14, v15  }
0x1e2: {  	v15 =	vor.u32 v5, v9;
	v9 =	vshll.u32 v26, $0xB;
	v14 =	vor.u32 v11, v14;
	[tilespmem:v20+s10+$0x0] =	vst.idx.msk vm3, v1  }
0x1e3: {  	v12 =	vor.u32 v6, v12;
	v16 =	vshll.u32 v26, $0x7;
	v14 =	vor.u32 v10, v14  }
0x1e4: {  	v19 =	vadd.s32 $0x1, v26;
	v16 =	vand.u32 $0x380, v16;
	v18 =	vand.u32 $0xFFFFC000, v9  }
0x1e5: {  	v9 =	vand.u32 $0x3C00, v17;
	v17 =	vshll.u32 v19, $0xB;
	v16 =	vor.u32 v18, v16  }
0x1e6: {  	[tilespmem:v13+s10+$0x0] =	vst.idx.msk vm5, v1;
	v13 =	vor.u32 v9, v16;
	v16 =	vand.u32 $0xFFFFC000, v17;
	v17 =	vshll.u32 v19, $0x7  }
0x1e7: {  	v15 =	vor.u32 v4, v15;
	v18 =	vor.u32 v8, v13;
	v13 =	vand.u32 $0x380, v17  }
0x1e8: {  	[tilespmem:v14+s10+$0x0] =	vst.idx.msk vm4, v1;
	v13 =	vor.u32 v16, v13  }
0x1e9: {  	v14 =	vld [tilespmem:s26+$0xFFFFFFE0];
	[tilespmem:v12+s10+$0x0] =	vst.idx.msk vm0, v1;
	v12 =	vor.u32 v9, v13  }
0x1ea: {  	[tilespmem:v21+s10+$0x0] =	vst.idx.msk vm2, v1  }
0x1eb: {  	v16 =	vld [tilespmem:s26+$0x0]  }
0x1ec: {  	vm2 =	vlt.s32 v19, $0x13;
	v12 =	vor.u32 v8, v12;
	[tilespmem:v15+s10+$0x0] =	vst.idx.msk vm1, v1;
	vm1 =	vlt.s32 v26, $0x13  }
0x1ed: {  	v13 =	vld [tilespmem:s26+$0xFFFFFFF0]  }
0x1ee: {  	v15 =	vand.u32 $0x7FFFFFFF, v14;
	vm0 =	vgt.f32 v14, $0.0e+00  }
0x1ef: {  	vm3 =	vlt.f32 v14, $0.0e+00;
	v15 =	vadd.f32 $1.000000000e+00, v15  }
0x1f0: {  	vm0 =	vmor vm0, vm3;
	v17 =	vand.u32 $0x80000000, v16  }
0x1f1: {  	v19 =	vshra.s32 v15, $0x1;
	v20 =	vmul.f32 $5.000000000e-01, v15  }
0x1f2: {  	v17 =	vor.u32 v17, v3;
	v19 =	vsub.s32 $0x5F3759DF, v19;
	v21 =	vand.u32 $0x7FFFFFFF, v13;
	[tilespmem:v18+s10+$0x0] =	vst.idx.msk vm1, v1  }
0x1f3: {  	v22 =	vand.u32 $0x7FFFFFFF, v16;
	v18 =	vmul.f32 v19, v20;
	v21 =	vadd.f32 $1.000000000e+00, v21;
	[tilespmem:v12+s10+$0x0] =	vst.idx.msk vm2, v1  }
0x1f4: {  	v22 =	vadd.f32 $1.000000000e+00, v22;
	v23 =	vand.u32 $0x80000000, v13;
	vm1 =	vgt.f32 v16, $0.0e+00;
	v12 =	vld [tilespmem:s26+$0x10]  }
0x1f5: {  	vm2 =	vlt.f32 v16, $0.0e+00;
	v18 =	vmul.f32 v19, v18;
	v24 =	vshra.s32 v21, $0x1  }
0x1f6: {  	v26 =	vshra.s32 v22, $0x1;
	v27 =	vmul.f32 $5.000000000e-01, v22;
	v25 =	vmul.f32 $5.000000000e-01, v21  }
0x1f7: {  	v26 =	vsub.s32 $0x5F3759DF, v26;
	vm1 =	vmor vm1, vm2;
	v18 =	vsub.f32 $1.500000000e+00, v18  }
0x1f8: {  	v28 =	vmul.f32 v26, v27;
	v17 =	vsel vm1, v17, v16;
	v24 =	vsub.s32 $0x5F3759DF, v24  }
0x1f9: {  	v18 =	vmul.f32 v19, v18;
	v19 =	vmul.f32 v24, v25;
	v29 =	vand.u32 $0x7FFFFFFF, v12  }
0x1fa: {  	vm1 =	vlt.f32 v13, $0.0e+00;
	v28 =	vmul.f32 v26, v28;
	v29 =	vadd.f32 $1.000000000e+00, v29  }
0x1fb: {  	vm2 =	vgt.f32 v13, $0.0e+00;
	v20 =	vmul.f32 v18, v20;
	v19 =	vmul.f32 v24, v19  }
0x1fc: {  	vm1 =	vmor vm2, vm1;
	v28 =	vsub.f32 $1.500000000e+00, v28;
	v30 =	vshra.s32 v29, $0x1  }
0x1fd: {  	v31 =	vmul.f32 $5.000000000e-01, v29;
	v20 =	vmul.f32 v20, v18;
	v30 =	vsub.s32 $0x5F3759DF, v30  }
0x1fe: {  	v26 =	vmul.f32 v26, v28;
	v28 =	vand.u32 $0x80000000, v12;
	v19 =	vsub.f32 $1.500000000e+00, v19  }
0x1ff: {  	vm2 =	vlt.f32 v12, $0.0e+00;
	v32 =	vmul.f32 v30, v31;
	v20 =	vsub.f32 $1.500000000e+00, v20  }
0x200: {  	v19 =	vmul.f32 v24, v19;
	v24 =	vmul.f32 v26, v27;
	v27 =	vor.u32 v28, v3  }
0x201: {  	vm3 =	vgt.f32 v12, $0.0e+00;
	v18 =	vmul.f32 v20, v18;
	v20 =	vmul.f32 v30, v32  }
0x202: {  	vm2 =	vmor vm3, vm2;
	v25 =	vmul.f32 v19, v25;
	v24 =	vmul.f32 v24, v26  }
0x203: {  	v15 =	vmul.f32 v18, v15;
	v18 =	vsub.f32 $1.500000000e+00, v20;
	v20 =	vsel vm2, v27, v12  }
0x204: {  	v25 =	vmul.f32 v25, v19;
	v24 =	vsub.f32 $1.500000000e+00, v24  }
0x205: {  	v27 =	vmul.f32 $1.000000050e-03, v14;
	v15 =	vadd.f32 $-1.000000000e+00, v15  }
0x206: {  	v28 =	vand.u32 $0x80000000, v14;
	v25 =	vsub.f32 $1.500000000e+00, v25;
	v24 =	vmul.f32 v24, v26  }
0x207: {  	v26 =	vor.u32 v28, v3;
	v18 =	vmul.f32 v30, v18;
	v15 =	vadd.f32 v15, v27  }
0x208: {  	v14 =	vsel vm0, v26, v14;
	v19 =	vmul.f32 v25, v19;
	v22 =	vmul.f32 v24, v22  }
0x209: {  	v14 =	vmul.f32 v15, v14;
	v15 =	vmul.f32 v18, v31  }
0x20a: {  	v16 =	vmul.f32 $1.000000050e-03, v16;
	v19 =	vmul.f32 v19, v21;
	v21 =	vadd.f32 $-1.000000000e+00, v22  }
0x20b: {  	v22 =	vmul.f32 $1.000000050e-03, v13;
	v14 =	vmax.f32 v14, $0.0e+00;
	v15 =	vmul.f32 v15, v18  }
0x20c: {  	v19 =	vadd.f32 $-1.000000000e+00, v19;
	v16 =	vadd.f32 v21, v16;
	v14 =	vmin.f32 v14, $1.900000000e+01  }
0x20d: {  	v23 =	vor.u32 v23, v3;
	v21 =	vtrunc.f32 v14;
	v15 =	vsub.f32 $1.500000000e+00, v15  }
0x20e: {  	v19 =	vadd.f32 v19, v22;
	v16 =	vmul.f32 v16, v17;
	v21 =	vcvt.f32.s32 v21  }
0x20f: {  	v13 =	vsel vm1, v23, v13;
	v15 =	vmul.f32 v15, v18  }
0x210: {  	v13 =	vmul.f32 v19, v13;
	v17 =	vshll.u32 v21, $0xB;
	v18 =	vshll.u32 v21, $0x7  }
0x211: {  	v17 =	vand.u32 $0xFFFFC000, v17;
	v18 =	vand.u32 $0x380, v18  }
0x212: {  	v15 =	vmul.f32 v15, v29;
	v17 =	vor.u32 v17, v18;
	v18 =	vadd.s32 $0x1, v21  }
0x213: {  	v16 =	vmax.f32 v16, $0.0e+00;
	v19 =	vcvt.s32.f32 v21;
	v17 =	vor.u32 v11, v17  }
0x214: {  	vm0 =	vlt.s32 v21, $0x13;
	v22 =	vshll.u32 v18, $0x7;
	v17 =	vor.u32 v10, v17  }
0x215: {  	v16 =	vmin.f32 v16, $1.900000000e+01;
	v19 =	vsub.f32 v14, v19;
	v14 =	vshll.u32 v18, $0xB  }
0x216: {  	v23 =	vtrunc.f32 v16;
	v14 =	vand.u32 $0xFFFFC000, v14;
	v22 =	vand.u32 $0x380, v22  }
0x217: {  	v13 =	vmax.f32 v13, $0.0e+00;
	v24 =	vsub.f32 $1.000000000e+00, v19;
	v14 =	vor.u32 v14, v22  }
0x218: {  	v13 =	vmin.f32 v13, $1.900000000e+01;
	v11 =	vor.u32 v11, v14;
	v14 =	vadd.f32 $-1.000000000e+00, v15  }
0x219: {  	v22 =	vor.u32 v10, v11;
	v10 =	vtrunc.f32 v13  }
0x21a: {  	v11 =	vcvt.f32.s32 v23;
	v10 =	vcvt.f32.s32 v10;
	[tilespmem:v17+s10+$0x0] =	vst.idx.msk vm0, v24  }
0x21b: {  	v12 =	vmul.f32 $1.000000050e-03, v12  }
0x21c: {  	v15 =	vshll.u32 v11, $0xB;
	vm0 =	vlt.s32 v10, $0x13;
	v17 =	vshll.u32 v11, $0x7  }
0x21d: {  	v12 =	vadd.f32 v14, v12;
	v23 =	vadd.s32 $0x1, v10;
	v24 =	vadd.s32 $0x1, v11  }
0x21e: {  	v25 =	vand.u32 $0xFFFFC000, v15;
	v14 =	vshll.u32 v23, $0x7;
	v15 =	vshll.u32 v24, $0xB  }
0x21f: {  	v26 =	vshll.u32 v10, $0xB;
	v27 =	vand.u32 $0xFFFFC000, v15;
	v15 =	vshll.u32 v24, $0x7  }
0x220: {  	vm3 =	vlt.s32 v11, $0x13;
	v28 =	vshll.u32 v10, $0x7;
	v12 =	vmul.f32 v12, v20  }
0x221: {  	v20 =	vcvt.s32.f32 v10;
	v29 =	vshll.u32 v23, $0xB;
	v30 =	vand.u32 $0x380, v15  }
0x222: {  	v14 =	vand.u32 $0x380, v14;
	v15 =	vand.u32 $0xFFFFC000, v29;
	v29 =	vmax.f32 v12, $0.0e+00  }
0x223: {  	v12 =	vsub.f32 v13, v20;
	v13 =	vand.u32 $0x380, v17;
	v17 =	vmin.f32 v29, $1.900000000e+01  }
0x224: {  	vm1 =	vlt.s32 v18, $0x13;
	v15 =	vor.u32 v15, v14;
	v13 =	vor.u32 v25, v13  }
0x225: {  	v18 =	vand.u32 $0x380, v28;
	v14 =	vand.u32 $0xFFFFC000, v26;
	v20 =	vtrunc.f32 v17  }
0x226: {  	v25 =	vcvt.s32.f32 v11;
	v26 =	vor.u32 v7, v13;
	v13 =	vcvt.f32.s32 v20  }
0x227: {  	v14 =	vor.u32 v14, v18;
	v20 =	vor.u32 v6, v26;
	v26 =	vor.u32 v27, v30  }
0x228: {  	v27 =	vor.u32 v5, v14;
	v18 =	vshll.u32 v13, $0xB;
	v28 =	vshll.u32 v13, $0x7  }
0x229: {  	v14 =	vsub.f32 v16, v25;
	v16 =	vand.u32 $0xFFFFC000, v18;
	v18 =	vand.u32 $0x380, v28  }
0x22a: {  	v25 =	vcvt.s32.f32 v13;
	v16 =	vor.u32 v16, v18;
	v18 =	vadd.s32 $0x1, v13  }
0x22b: {  	v16 =	vor.u32 v9, v16;
	[tilespmem:v22+s10+$0x0] =	vst.idx.msk vm1, v19;
	v19 =	vshll.u32 v18, $0xB;
	v22 =	vshll.u32 v18, $0x7  }
.Ltmp2:
0x22c: {  	v16 =	vor.u32 v8, v16;
	v19 =	vand.u32 $0xFFFFC000, v19;
	v22 =	vand.u32 $0x380, v22;
	(pc) =	sbr.rel @p0 .LBB2_7-.Ltmp2, $4  }
0x22d: {  	vm4 =	vlt.s32 v13, $0x13;
	v17 =	vsub.f32 v17, v25;
	v19 =	vor.u32 v19, v22  }
0x22e: {  	vm5 =	vlt.s32 v18, $0x13;
	[tilespmem:s25+$0xFFFFFFE0] =	vst v21;
	v21 =	vsub.f32 $1.000000000e+00, v14;
	v9 =	vor.u32 v9, v19  }
0x22f: {  	vm2 =	vlt.s32 v24, $0x13;
	v18 =	vsub.f32 $1.000000000e+00, v17;
	v9 =	vor.u32 v8, v9  }
0x230: {  	s24 =	sadd.s32 $0x40, s24;
	s26 =	sadd.s32 $0x40, s26;
	v7 =	vor.u32 v7, v26;
	vm1 =	vlt.s32 v23, $0x13;
	s25 =	sadd.s32 $0x40, s25;
	v8 =	vor.u32 v4, v27;
	[tilespmem:v20+s10+$0x0] =	vst.idx.msk vm3, v21  }
0x231: {  	_ =	sdelay $0x3  }
0x232: {  	v6 =	vor.u32 v6, v7  }
0x233: {  	v63 =	vsub.f32 $1.000000000e+00, v12;
	v5 =	vor.u32 v5, v15;
	[tilespmem:v16+s10+$0x0] =	vst.idx.msk vm4, v18  }
0x234: {  	[tilespmem:v9+s10+$0x0] =	vst.idx.msk vm5, v17;
	v4 =	vor.u32 v4, v5  }
0x235: {  	s20 =	sadd.s32 $0x1, s20;
	[tilespmem:v8+s10+$0x0] =	vst.idx.msk vm0, v63  }
0x236: {  	p0 =	sne.s32 s20, $0x10;
	[tilespmem:s22+$0x10] =	vst v13  }
.Ltmp3:
0x237: {  	[tilespmem:v6+s10+$0x0] =	vst.idx.msk vm2, v14;
	(pc) =	sbr.rel @p0 .LBB2_4-.Ltmp3, $4  }
0x238: {  	[tilespmem:s22+$0x0] =	vst v11  }
0x239: {  	[tilespmem:v4+s10+$0x0] =	vst.idx.msk vm1, v12  }
0x23a: {  	s21 =	sadd.s32 s3, s21;
	[tilespmem:s22+$0xFFFFFFF0] =	vst v10  }
0x23b: {  	[hbm4b:s21+s13] =	stream.strided.scatter [tilespmem:s10], [sflag:$0x2], $0xC000, s14, s13, $0x38;
	[tilespmem:$0x1A000] =	vst v63  }
0x23c: {  	s18 =	sadd.s32 $0x1, s18  }
0x23d: {  	_ =	swait.ge [sflag:s16], $0xC000;
	p0 =	sne.s32 s18, s8  }
.Ltmp4:
0x23e: {  	[sflag:s16] =	ssyncset.done $0x0;
	(pc) =	sbr.rel @p0 .LBB2_1-.Ltmp4, $4  }
0x23f: {  	[sflag:s16] =	ssyncadd.s32 $0xFFFF4000  }
0x240: {  	_ =	swait.ge [sflag:s17], $0xC000  }
0x241: {  	[sflag:s17] =	ssyncset.done $0x0  }
0x242: {  	[sflag:s17] =	ssyncadd.s32 $0xFFFF4000  }
0x243: {  	_ =	sfence.sel $0x180000  }
0x244: {  	[bflag:$0x0] =	sbarrier.arrive $0xFFFF  }
0x245: {  	p0 =	sne.s32 s1, $0x0;
	_ =	strace $0x90000047  }
0x246: {  	s0 =	sadd.s32 @!p0 $0x100000, s0;
	[bflag:$0x2] =	sbarrier.arrive $0xFFFF  }
0x247: {  	[sflag:s0] =	ssyncadd.tile.s32 @!p0 $0x1;
	_ =	shalt  }
.Lfunc_end2:
_tile_overlayer_lowered:
.L_overlay_start_2:
0x248: {  	(tag) =	ssettag $0x2  }
0x249: {  	s0 =	rddreg [dreg:$0x0];
	s2 =	stileid.u32  }
0x24a: {  	s1 =	rddreg [dreg:$0x1];
	p0 =	sne.s32 s2, $0x0  }
0x24b: {  	s3 =	rddreg [dreg:$0x2];
	[bflag:$0x3] =	sbarrier.arrive $0xFFFF;
	s2 =	simm.s32 @!p0 $0x1C05  }
0x24c: {  	[timem:s3], [sflag:s2] =	dma.local @!p0 [hbm:s0], s1  }
0x24d: {  	s0 =	simm.s32 @!p0 $0x5  }
0x24e: {  	_ =	swait.ge @!p0 [sflag:s0], s1  }
0x24f: {  	s1 =	ssub.s32 @!p0 $0x0, s1;
	[sflag:s0] =	ssyncset.done @!p0 $0x0  }
0x250: {  	[sflag:s0] =	ssyncadd.s32 @!p0 s1  }
0x251: {  	[bflag:$0x3] =	sbarrier.arrive $0xFFFF  }
0x252: {  	_ =	shalt  }

</sc_bundles>
